<compile_context>
chip_gen: v7x
topology: tpu7x:2x2x1
jax: 0.10.2.dev20260603
libtpu: 0.0.44.dev20260713+nightly
codegen_flags: <defaults>
</compile_context>

<pallas_src>
import jax
import jax.numpy as jnp
from jax import lax
from jax.experimental import pallas as pl
from jax.experimental.pallas import tpu as pltpu
from jax.experimental.pallas import tpu_sc as plsc

N = 100000
D = 128
B = 1024

BLK = 10240
NPAD = 102400
GRID1 = NPAD // BLK

NW = 32
ROWS_W = NPAD // NW
CHUNK = 128
NCH = ROWS_W // CHUNK


def _stage1_body(x_ref, wg_ref, bg_ref, wf_ref, bf_ref, p_ref, e_ref):
    i = pl.program_id(0)
    xb = x_ref[...]
    gate = jnp.dot(xb, wg_ref[...], preferred_element_type=jnp.float32)
    gate = gate + bg_ref[0, 0]
    e = jnp.exp(gate)
    feat = jnp.dot(xb, wf_ref[...], preferred_element_type=jnp.float32)
    feat = feat + bf_ref[...]
    feat = jnp.where(feat >= 0.0, feat, 0.01 * feat)
    rows = i * BLK + lax.broadcasted_iota(jnp.int32, (BLK, 1), 0)
    valid = rows < N
    e = jnp.where(valid, e, 0.0)
    p_ref[...] = jnp.where(valid, e * feat, 0.0)
    e_ref[...] = e.reshape(BLK // D, D)


def _stage1(x, Wg, bg2, Wf, bf2):
    return pl.pallas_call(
        _stage1_body,
        grid=(GRID1,),
        in_specs=[
            pl.BlockSpec((BLK, D), lambda i: (jnp.minimum(i, (N - 1) // BLK), 0)),
            pl.BlockSpec((D, 1), lambda i: (0, 0)),
            pl.BlockSpec((1, 1), lambda i: (0, 0)),
            pl.BlockSpec((D, D), lambda i: (0, 0)),
            pl.BlockSpec((1, D), lambda i: (0, 0)),
        ],
        out_specs=[
            pl.BlockSpec((BLK, D), lambda i: (i, 0)),
            pl.BlockSpec((BLK // D, D), lambda i: (i, 0)),
        ],
        out_shape=[
            jax.ShapeDtypeStruct((NPAD, D), jnp.float32),
            jax.ShapeDtypeStruct((NPAD // D, D), jnp.float32),
        ],
    )(x, Wg, bg2, Wf, bf2)


def _seg_body(p_hbm, e_hbm, ids_hbm, outp, oute,
              pb0, pb1, eall, idall, zp, dloc, i16, accp, acce,
              gs0, gs1, ss0, ss1):
    c = lax.axis_index("c")
    s = lax.axis_index("s")
    w = s * 2 + c
    base = w * ROWS_W
    iota = lax.iota(jnp.int32, 16)

    def zrow(i, carry):
        for cs in range(D // 16):
            zp[i, pl.ds(cs * 16, 16)] = jnp.zeros((16,), jnp.float32)
        return carry

    lax.fori_loop(0, 64, zrow, 0)

    def zrow2(i, carry):
        for cs in range(D // 16):
            dloc[i, pl.ds(cs * 16, 16)] = jnp.zeros((16,), jnp.float32)
        return carry

    lax.fori_loop(0, 16, zrow2, 0)
    i16[pl.ds(0, 16)] = iota
    pltpu.sync_copy(zp, accp.at[pl.ds(s * 64, 64)])

    @pl.when(s == 0)
    def _():
        pltpu.sync_copy(dloc, acce)

    pltpu.sync_copy(ids_hbm.at[w], idall)
    pltpu.sync_copy(e_hbm.at[w], eall)
    plsc.subcore_barrier()

    bufs = ((pb0, gs0, ss0), (pb1, gs1, ss1))
    for b in range(2):
        pb, gs, _ = bufs[b]
        pltpu.async_copy(p_hbm.at[pl.ds(base + b * CHUNK, CHUNK)], pb, gs)

    def denom(k):
        def grp(g, carry):
            ids_v = idall[k, pl.ds(g * 16, 16)]
            e_v = eall[k, pl.ds(g * 16, 16)]
            row = lax.shift_right_logical(ids_v, 7)
            col = lax.bitwise_and(ids_v, 127)
            plsc.addupdate_scatter(dloc, [row, col], e_v)
            return carry

        lax.fori_loop(0, CHUNK // 16, grp, 0)

    def step(k, pb, gs, ss):
        src = p_hbm.at[pl.ds(base + k * CHUNK, CHUNK)]
        pltpu.make_async_copy(src, pb, gs).wait()
        pltpu.async_copy(pb, accp.at[idall.at[k]], ss, add=True)
        denom(k)
        pltpu.make_async_copy(pb, accp.at[idall.at[k]], ss).wait()
        nxt = k + 2

        @pl.when(nxt < NCH)
        def _():
            pltpu.async_copy(
                p_hbm.at[pl.ds(base + nxt * CHUNK, CHUNK)], pb, gs)

    def pair(i, carry):
        for b in range(2):
            pb, gs, ss = bufs[b]
            step(2 * i + b, pb, gs, ss)
        return carry

    lax.fori_loop(0, NCH // 2, pair, 0)
    if NCH % 2:
        step(NCH - 1, *bufs[(NCH - 1) % 2])
    pltpu.sync_copy(dloc, acce.at[i16], add=True)
    plsc.subcore_barrier()
    off = c * B + s * 64
    pltpu.sync_copy(accp.at[pl.ds(s * 64, 64)], outp.at[pl.ds(off, 64)])

    @pl.when(s == 0)
    def _():
        pltpu.sync_copy(acce, oute.at[pl.ds(c * 16, 16)])


def _segsum(p, epk, ids):
    mesh = plsc.VectorSubcoreMesh(
        core_axis_name="c", subcore_axis_name="s", num_cores=2,
        num_subcores=16)
    return pl.kernel(
        _seg_body,
        out_type=[
            jax.ShapeDtypeStruct((2 * B, D), jnp.float32),
            jax.ShapeDtypeStruct((32, D), jnp.float32),
        ],
        mesh=mesh,
        compiler_params=pltpu.CompilerParams(needs_layout_passes=False),
        scratch_types=[
            pltpu.VMEM((CHUNK, D), jnp.float32),
            pltpu.VMEM((CHUNK, D), jnp.float32),
            pltpu.VMEM((NCH, CHUNK), jnp.float32),
            pltpu.VMEM((NCH, CHUNK), jnp.int32),
            pltpu.VMEM((64, D), jnp.float32),
            pltpu.VMEM((16, D), jnp.float32),
            pltpu.VMEM((16,), jnp.int32),
            pltpu.VMEM_SHARED((B, D), jnp.float32),
            pltpu.VMEM_SHARED((16, D), jnp.float32),
            pltpu.SemaphoreType.DMA,
            pltpu.SemaphoreType.DMA,
            pltpu.SemaphoreType.DMA,
            pltpu.SemaphoreType.DMA,
        ],
    )(p, epk, ids)


def _stage3_body(sp_ref, d0_ref, d1_ref, xgo_ref, wt1_ref, wt2_ref, bt_ref,
                 o_ref):
    psum = sp_ref[0:B, :] + sp_ref[B:2 * B, :]
    esum = d0_ref[...] + d1_ref[...]
    xg = psum / (esum + 1e-16)
    xgo = xgo_ref[...]
    h = (jnp.dot(xg, wt1_ref[...], preferred_element_type=jnp.float32)
         + jnp.dot(xgo, wt2_ref[...], preferred_element_type=jnp.float32)
         + bt_ref[...])
    o_ref[...] = jnp.where(h >= 0.0, h, 0.01 * h) + xgo


def _stage3(sp, d0, d1, xg_old, Wt1, Wt2, bt2):
    return pl.pallas_call(
        _stage3_body,
        out_shape=jax.ShapeDtypeStruct((B, D), jnp.float32),
    )(sp, d0, d1, xg_old, Wt1, Wt2, bt2)


def kernel(xg_old, x, batch, Wg, bg, Wf, bf, Wt, bt):
    ids = jnp.concatenate(
        [batch, jnp.full((NPAD - N,), B - 1, jnp.int32)])
    bg2 = bg.reshape(1, 1)
    bf2 = bf.reshape(1, D)
    bt2 = bt.reshape(1, D)
    p, epk = _stage1(x, Wg, bg2, Wf, bf2)
    sp, se = _segsum(p, epk.reshape(NW, NCH, CHUNK),
                     ids.reshape(NW, NCH, CHUNK))
    d0 = se[0:B // D].reshape(B, 1)
    d1 = se[16:16 + B // D].reshape(B, 1)
    return _stage3(sp, d0, d1, xg_old, Wt[:D], Wt[D:], bt2)

# --- scband reference (transcript-rebuilt; emitter-appended) ---
"""Pipeline reference for scband-global-node-6133213299117 (READ-ONLY COPY).

The authoritative reference and input builder live on the scoring server;
editing this copy changes nothing except your own understanding.
"""

import jax, jax.numpy as jnp
import numpy as np

N = 100000
D = 128
B = 1024

def setup_inputs(seed: int = 0) -> dict:
    key = jax.random.key(seed)
    ks = jax.random.split(key, 8)
    xg_old = jax.random.normal(ks[0], (B, D), dtype=jnp.float32)
    x = jax.random.normal(ks[1], (N, D), dtype=jnp.float32)
    batch = jnp.sort(jax.random.randint(ks[2], (N,), 0, B)).astype(jnp.int32)
    Wg = jax.random.normal(ks[3], (D, 1), dtype=jnp.float32) * 0.05
    bg = jnp.zeros((1,), dtype=jnp.float32)
    Wf = jax.random.normal(ks[4], (D, D), dtype=jnp.float32) * 0.05
    bf = jnp.zeros((D,), dtype=jnp.float32)
    Wt = jax.random.normal(ks[5], (2 * D, D), dtype=jnp.float32) * 0.05
    bt = jnp.zeros((D,), dtype=jnp.float32)
    return {"xg_old": xg_old, "x": x, "batch": batch,
            "Wg": Wg, "bg": bg, "Wf": Wf, "bf": bf, "Wt": Wt, "bt": bt}

def reference(xg_old, x, batch, Wg, bg, Wf, bf, Wt, bt):
    # AttentionalAggregation: gate_nn = Linear(D,1); nn = Linear(D,D)+LeakyReLU
    gate = x @ Wg + bg                                      # [N, 1]
    # per-segment softmax with max-subtraction (as in PyG softmax)
    gmax = jax.ops.segment_max(gate, batch, num_segments=B) # [B, 1]
    gmax = jnp.where(jnp.isfinite(gmax), gmax, 0.0)
    e = jnp.exp(gate - gmax[batch])                          # [N, 1]
    denom = jax.ops.segment_sum(e, batch, num_segments=B)   # [B, 1]
    attn = e / (denom[batch] + 1e-16)                        # [N, 1]
    feat = jax.nn.leaky_relu(x @ Wf + bf, negative_slope=0.01)
    xg = jax.ops.segment_sum(attn * feat, batch, num_segments=B)  # [B, D]
    cat = jnp.concatenate([xg, xg_old], axis=1)              # [B, 2D]
    out = jax.nn.leaky_relu(cat @ Wt + bt, negative_slope=0.01) + xg_old
    return out

if __name__ == "__main__":
    import jax
    _d = setup_inputs()
    print(jax.jit(kernel)(*tuple(_d.values())))

</pallas_src>

<mosaic_0001>
#map = affine_map<(d0, d1) -> (0, 0)>
#map1 = affine_map<(d0, d1) -> (0, 0, 0)>
module attributes {stable_mosaic.version = 14 : i64} {
  func.func @_seg_body(%arg0: i32, %arg1: i32, %arg2: memref<102400x128xf32, #tpu.memory_space<hbm>>, %arg3: memref<32x25x128xf32, #tpu.memory_space<hbm>>, %arg4: memref<32x25x128xi32, #tpu.memory_space<hbm>>, %arg5: memref<2048x128xf32, #tpu.memory_space<hbm>>, %arg6: memref<32x128xf32, #tpu.memory_space<hbm>>, %arg7: memref<128x128xf32, #tpu.memory_space<vmem>>, %arg8: memref<128x128xf32, #tpu.memory_space<vmem>>, %arg9: memref<25x128xf32, #tpu.memory_space<vmem>>, %arg10: memref<25x128xi32, #tpu.memory_space<vmem>>, %arg11: memref<64x128xf32, #tpu.memory_space<vmem>>, %arg12: memref<16x128xf32, #tpu.memory_space<vmem>>, %arg13: memref<16xi32, #tpu.memory_space<vmem>>, %arg14: memref<1024x128xf32, #tpu.memory_space<vmem_shared>>, %arg15: memref<16x128xf32, #tpu.memory_space<vmem_shared>>, %arg16: memref<!tpu.dma_semaphore, #tpu.memory_space<semaphore_mem>>, %arg17: memref<!tpu.dma_semaphore, #tpu.memory_space<semaphore_mem>>, %arg18: memref<!tpu.dma_semaphore, #tpu.memory_space<semaphore_mem>>, %arg19: memref<!tpu.dma_semaphore, #tpu.memory_space<semaphore_mem>>) attributes {dimension_semantics = [#tpu.dimension_semantics<core_parallel>, #tpu.dimension_semantics<subcore_parallel>], iteration_bounds = array<i64: 2, 16>, scalar_prefetch = 0 : i64, scratch_operands = 13 : i64, tpu.core_type = #tpu.core_type<sc_vector_subcore>, window_params = [{transform_indices = #map}, {transform_indices = #map1}, {transform_indices = #map1}, {transform_indices = #map}, {transform_indices = #map}]} {
    %mul3A = arith.constant 2 : i32
    %mul3A_0 = arith.muli %arg1, %mul3A : i32
    %add3A = arith.addi %mul3A_0, %arg0 : i32
    %mul3A_1 = arith.constant 3200 : i32
    %mul3A_2 = arith.muli %add3A, %mul3A_1 : i32
    %iota3A = tpu.iota {dimensions = array<i32: 0>} : vector<16xi32>
    %scan3A = arith.constant 0 : i32
    %scan3A_3 = arith.constant 0 : i32
    %scan3A_4 = arith.constant 64 : i32
    %scan3A_5 = arith.addi %scan3A_3, %scan3A_4 : i32
    %scan3A_6 = arith.constant 1 : i32
    scf.for %scan3A_74 = %scan3A_3 to %scan3A_5 step %scan3A_6  : i32 {
      %broadcast_in_dim3A = arith.constant 0.000000e+00 : f32
      %broadcast_in_dim3A_75 = vector.broadcast %broadcast_in_dim3A : f32 to vector<16xf32>
      %swap3A_76 = arith.index_cast %scan3A_74 : i32 to index
      %swap3A_77 = arith.constant 0 : index
      %swap3A_78 = tpu.vector_load %arg11[%swap3A_76, %swap3A_77] {strides = array<i32>} : memref<64x128xf32, #tpu.memory_space<vmem>>, vector<16xf32>,
      tpu.vector_store %arg11[%swap3A_76, %swap3A_77], %broadcast_in_dim3A_75 {strides = array<i32>} : memref<64x128xf32, #tpu.memory_space<vmem>>, vector<16xf32>,
      %broadcast_in_dim3A_79 = arith.constant 0.000000e+00 : f32
      %broadcast_in_dim3A_80 = vector.broadcast %broadcast_in_dim3A_79 : f32 to vector<16xf32>
      %swap3A_81 = arith.index_cast %scan3A_74 : i32 to index
      %swap3A_82 = arith.constant 16 : index
      %swap3A_83 = tpu.vector_load %arg11[%swap3A_81, %swap3A_82] {strides = array<i32>} : memref<64x128xf32, #tpu.memory_space<vmem>>, vector<16xf32>,
      tpu.vector_store %arg11[%swap3A_81, %swap3A_82], %broadcast_in_dim3A_80 {strides = array<i32>} : memref<64x128xf32, #tpu.memory_space<vmem>>, vector<16xf32>,
      %broadcast_in_dim3A_84 = arith.constant 0.000000e+00 : f32
      %broadcast_in_dim3A_85 = vector.broadcast %broadcast_in_dim3A_84 : f32 to vector<16xf32>
      %swap3A_86 = arith.index_cast %scan3A_74 : i32 to index
      %swap3A_87 = arith.constant 32 : index
      %swap3A_88 = tpu.vector_load %arg11[%swap3A_86, %swap3A_87] {strides = array<i32>} : memref<64x128xf32, #tpu.memory_space<vmem>>, vector<16xf32>,
      tpu.vector_store %arg11[%swap3A_86, %swap3A_87], %broadcast_in_dim3A_85 {strides = array<i32>} : memref<64x128xf32, #tpu.memory_space<vmem>>, vector<16xf32>,
      %broadcast_in_dim3A_89 = arith.constant 0.000000e+00 : f32
      %broadcast_in_dim3A_90 = vector.broadcast %broadcast_in_dim3A_89 : f32 to vector<16xf32>
      %swap3A_91 = arith.index_cast %scan3A_74 : i32 to index
      %swap3A_92 = arith.constant 48 : index
      %swap3A_93 = tpu.vector_load %arg11[%swap3A_91, %swap3A_92] {strides = array<i32>} : memref<64x128xf32, #tpu.memory_space<vmem>>, vector<16xf32>,
      tpu.vector_store %arg11[%swap3A_91, %swap3A_92], %broadcast_in_dim3A_90 {strides = array<i32>} : memref<64x128xf32, #tpu.memory_space<vmem>>, vector<16xf32>,
      %broadcast_in_dim3A_94 = arith.constant 0.000000e+00 : f32
      %broadcast_in_dim3A_95 = vector.broadcast %broadcast_in_dim3A_94 : f32 to vector<16xf32>
      %swap3A_96 = arith.index_cast %scan3A_74 : i32 to index
      %swap3A_97 = arith.constant 64 : index
      %swap3A_98 = tpu.vector_load %arg11[%swap3A_96, %swap3A_97] {strides = array<i32>} : memref<64x128xf32, #tpu.memory_space<vmem>>, vector<16xf32>,
      tpu.vector_store %arg11[%swap3A_96, %swap3A_97], %broadcast_in_dim3A_95 {strides = array<i32>} : memref<64x128xf32, #tpu.memory_space<vmem>>, vector<16xf32>,
      %broadcast_in_dim3A_99 = arith.constant 0.000000e+00 : f32
      %broadcast_in_dim3A_100 = vector.broadcast %broadcast_in_dim3A_99 : f32 to vector<16xf32>
      %swap3A_101 = arith.index_cast %scan3A_74 : i32 to index
      %swap3A_102 = arith.constant 80 : index
      %swap3A_103 = tpu.vector_load %arg11[%swap3A_101, %swap3A_102] {strides = array<i32>} : memref<64x128xf32, #tpu.memory_space<vmem>>, vector<16xf32>,
      tpu.vector_store %arg11[%swap3A_101, %swap3A_102], %broadcast_in_dim3A_100 {strides = array<i32>} : memref<64x128xf32, #tpu.memory_space<vmem>>, vector<16xf32>,
      %broadcast_in_dim3A_104 = arith.constant 0.000000e+00 : f32
      %broadcast_in_dim3A_105 = vector.broadcast %broadcast_in_dim3A_104 : f32 to vector<16xf32>
      %swap3A_106 = arith.index_cast %scan3A_74 : i32 to index
      %swap3A_107 = arith.constant 96 : index
      %swap3A_108 = tpu.vector_load %arg11[%swap3A_106, %swap3A_107] {strides = array<i32>} : memref<64x128xf32, #tpu.memory_space<vmem>>, vector<16xf32>,
      tpu.vector_store %arg11[%swap3A_106, %swap3A_107], %broadcast_in_dim3A_105 {strides = array<i32>} : memref<64x128xf32, #tpu.memory_space<vmem>>, vector<16xf32>,
      %broadcast_in_dim3A_109 = arith.constant 0.000000e+00 : f32
      %broadcast_in_dim3A_110 = vector.broadcast %broadcast_in_dim3A_109 : f32 to vector<16xf32>
      %swap3A_111 = arith.index_cast %scan3A_74 : i32 to index
      %swap3A_112 = arith.constant 112 : index
      %swap3A_113 = tpu.vector_load %arg11[%swap3A_111, %swap3A_112] {strides = array<i32>} : memref<64x128xf32, #tpu.memory_space<vmem>>, vector<16xf32>,
      tpu.vector_store %arg11[%swap3A_111, %swap3A_112], %broadcast_in_dim3A_110 {strides = array<i32>} : memref<64x128xf32, #tpu.memory_space<vmem>>, vector<16xf32>,
    }
    %scan3A_7 = arith.constant 64 : i32
    %scan3A_8 = arith.constant 0 : i32
    %scan3A_9 = arith.constant 0 : i32
    %scan3A_10 = arith.constant 16 : i32
    %scan3A_11 = arith.addi %scan3A_9, %scan3A_10 : i32
    %scan3A_12 = arith.constant 1 : i32
    scf.for %scan3A_74 = %scan3A_9 to %scan3A_11 step %scan3A_12  : i32 {
      %broadcast_in_dim3A = arith.constant 0.000000e+00 : f32
      %broadcast_in_dim3A_75 = vector.broadcast %broadcast_in_dim3A : f32 to vector<16xf32>
      %swap3A_76 = arith.index_cast %scan3A_74 : i32 to index
      %swap3A_77 = arith.constant 0 : index
      %swap3A_78 = tpu.vector_load %arg12[%swap3A_76, %swap3A_77] {strides = array<i32>} : memref<16x128xf32, #tpu.memory_space<vmem>>, vector<16xf32>,
      tpu.vector_store %arg12[%swap3A_76, %swap3A_77], %broadcast_in_dim3A_75 {strides = array<i32>} : memref<16x128xf32, #tpu.memory_space<vmem>>, vector<16xf32>,
      %broadcast_in_dim3A_79 = arith.constant 0.000000e+00 : f32
      %broadcast_in_dim3A_80 = vector.broadcast %broadcast_in_dim3A_79 : f32 to vector<16xf32>
      %swap3A_81 = arith.index_cast %scan3A_74 : i32 to index
      %swap3A_82 = arith.constant 16 : index
      %swap3A_83 = tpu.vector_load %arg12[%swap3A_81, %swap3A_82] {strides = array<i32>} : memref<16x128xf32, #tpu.memory_space<vmem>>, vector<16xf32>,
      tpu.vector_store %arg12[%swap3A_81, %swap3A_82], %broadcast_in_dim3A_80 {strides = array<i32>} : memref<16x128xf32, #tpu.memory_space<vmem>>, vector<16xf32>,
      %broadcast_in_dim3A_84 = arith.constant 0.000000e+00 : f32
      %broadcast_in_dim3A_85 = vector.broadcast %broadcast_in_dim3A_84 : f32 to vector<16xf32>
      %swap3A_86 = arith.index_cast %scan3A_74 : i32 to index
      %swap3A_87 = arith.constant 32 : index
      %swap3A_88 = tpu.vector_load %arg12[%swap3A_86, %swap3A_87] {strides = array<i32>} : memref<16x128xf32, #tpu.memory_space<vmem>>, vector<16xf32>,
      tpu.vector_store %arg12[%swap3A_86, %swap3A_87], %broadcast_in_dim3A_85 {strides = array<i32>} : memref<16x128xf32, #tpu.memory_space<vmem>>, vector<16xf32>,
      %broadcast_in_dim3A_89 = arith.constant 0.000000e+00 : f32
      %broadcast_in_dim3A_90 = vector.broadcast %broadcast_in_dim3A_89 : f32 to vector<16xf32>
      %swap3A_91 = arith.index_cast %scan3A_74 : i32 to index
      %swap3A_92 = arith.constant 48 : index
      %swap3A_93 = tpu.vector_load %arg12[%swap3A_91, %swap3A_92] {strides = array<i32>} : memref<16x128xf32, #tpu.memory_space<vmem>>, vector<16xf32>,
      tpu.vector_store %arg12[%swap3A_91, %swap3A_92], %broadcast_in_dim3A_90 {strides = array<i32>} : memref<16x128xf32, #tpu.memory_space<vmem>>, vector<16xf32>,
      %broadcast_in_dim3A_94 = arith.constant 0.000000e+00 : f32
      %broadcast_in_dim3A_95 = vector.broadcast %broadcast_in_dim3A_94 : f32 to vector<16xf32>
      %swap3A_96 = arith.index_cast %scan3A_74 : i32 to index
      %swap3A_97 = arith.constant 64 : index
      %swap3A_98 = tpu.vector_load %arg12[%swap3A_96, %swap3A_97] {strides = array<i32>} : memref<16x128xf32, #tpu.memory_space<vmem>>, vector<16xf32>,
      tpu.vector_store %arg12[%swap3A_96, %swap3A_97], %broadcast_in_dim3A_95 {strides = array<i32>} : memref<16x128xf32, #tpu.memory_space<vmem>>, vector<16xf32>,
      %broadcast_in_dim3A_99 = arith.constant 0.000000e+00 : f32
      %broadcast_in_dim3A_100 = vector.broadcast %broadcast_in_dim3A_99 : f32 to vector<16xf32>
      %swap3A_101 = arith.index_cast %scan3A_74 : i32 to index
      %swap3A_102 = arith.constant 80 : index
      %swap3A_103 = tpu.vector_load %arg12[%swap3A_101, %swap3A_102] {strides = array<i32>} : memref<16x128xf32, #tpu.memory_space<vmem>>, vector<16xf32>,
      tpu.vector_store %arg12[%swap3A_101, %swap3A_102], %broadcast_in_dim3A_100 {strides = array<i32>} : memref<16x128xf32, #tpu.memory_space<vmem>>, vector<16xf32>,
      %broadcast_in_dim3A_104 = arith.constant 0.000000e+00 : f32
      %broadcast_in_dim3A_105 = vector.broadcast %broadcast_in_dim3A_104 : f32 to vector<16xf32>
      %swap3A_106 = arith.index_cast %scan3A_74 : i32 to index
      %swap3A_107 = arith.constant 96 : index
      %swap3A_108 = tpu.vector_load %arg12[%swap3A_106, %swap3A_107] {strides = array<i32>} : memref<16x128xf32, #tpu.memory_space<vmem>>, vector<16xf32>,
      tpu.vector_store %arg12[%swap3A_106, %swap3A_107], %broadcast_in_dim3A_105 {strides = array<i32>} : memref<16x128xf32, #tpu.memory_space<vmem>>, vector<16xf32>,
      %broadcast_in_dim3A_109 = arith.constant 0.000000e+00 : f32
      %broadcast_in_dim3A_110 = vector.broadcast %broadcast_in_dim3A_109 : f32 to vector<16xf32>
      %swap3A_111 = arith.index_cast %scan3A_74 : i32 to index
      %swap3A_112 = arith.constant 112 : index
      %swap3A_113 = tpu.vector_load %arg12[%swap3A_111, %swap3A_112] {strides = array<i32>} : memref<16x128xf32, #tpu.memory_space<vmem>>, vector<16xf32>,
      tpu.vector_store %arg12[%swap3A_111, %swap3A_112], %broadcast_in_dim3A_110 {strides = array<i32>} : memref<16x128xf32, #tpu.memory_space<vmem>>, vector<16xf32>,
    }
    %scan3A_13 = arith.constant 16 : i32
    %swap3A = arith.constant 0 : index
    %swap3A_14 = tpu.vector_load %arg13[%swap3A] {strides = array<i32>} : memref<16xi32, #tpu.memory_space<vmem>>, vector<16xi32>,
    tpu.vector_store %arg13[%swap3A], %iota3A {strides = array<i32>} : memref<16xi32, #tpu.memory_space<vmem>>, vector<16xi32>,
    %mul3A_15 = arith.constant 64 : i32
    %mul3A_16 = arith.muli %arg1, %mul3A_15 : i32
    "tpu.region"() ({
      %run_scoped3A = tpu.sem_alloc : memref<!tpu.dma_semaphore, #tpu.memory_space<semaphore_mem>>
      %dma_start3A_74 = arith.constant 0 : i32
      %dma_start3A_75 = tpu.memref_slice %arg14[%mul3A_16, %dma_start3A_74] : memref<1024x128xf32, #tpu.memory_space<vmem_shared>> -> memref<64x128xf32, #tpu.memory_space<vmem_shared>>
      %dma_start3A_76 = arith.constant 0 : i32
      %dma_start3A_77 = tpu.memref_slice %arg14[%mul3A_16, %dma_start3A_76] : memref<1024x128xf32, #tpu.memory_space<vmem_shared>> -> memref<64x128xf32, #tpu.memory_space<vmem_shared>>
      tpu.enqueue_dma source(%arg11 : memref<64x128xf32, #tpu.memory_space<vmem>>) target(%dma_start3A_77 : memref<64x128xf32, #tpu.memory_space<vmem_shared>>) target_semaphore(%run_scoped3A : memref<!tpu.dma_semaphore, #tpu.memory_space<semaphore_mem>>)
      %dma_wait3A_78 = arith.constant 0 : i32
      %dma_wait3A_79 = tpu.memref_slice %arg14[%mul3A_16, %dma_wait3A_78] : memref<1024x128xf32, #tpu.memory_space<vmem_shared>> -> memref<64x128xf32, #tpu.memory_space<vmem_shared>>
      %dma_wait3A_80 = arith.constant 0 : i32
      %dma_wait3A_81 = tpu.memref_slice %arg14[%mul3A_16, %dma_wait3A_80] : memref<1024x128xf32, #tpu.memory_space<vmem_shared>> -> memref<64x128xf32, #tpu.memory_space<vmem_shared>>
      tpu.wait_dma2 semaphore(%run_scoped3A : memref<!tpu.dma_semaphore, #tpu.memory_space<semaphore_mem>>) src(%arg11 : memref<64x128xf32, #tpu.memory_space<vmem>>) dst(%dma_wait3A_81 : memref<64x128xf32, #tpu.memory_space<vmem_shared>>)
      tpu.yield
    }) : () -> ()
    %eq3A = arith.constant 0 : i32
    %eq3A_17 = arith.cmpi eq, %arg1, %eq3A : i32
    %convert_element_type3A = arith.extui %eq3A_17 : i1 to i32
    %cond3A = arith.constant 0 : i32
    %cond3A_18 = arith.cmpi ne, %convert_element_type3A, %cond3A : i32
    scf.if %cond3A_18 {
      "tpu.region"() ({
        %run_scoped3A = tpu.sem_alloc : memref<!tpu.dma_semaphore, #tpu.memory_space<semaphore_mem>>
        tpu.enqueue_dma source(%arg12 : memref<16x128xf32, #tpu.memory_space<vmem>>) target(%arg15 : memref<16x128xf32, #tpu.memory_space<vmem_shared>>) target_semaphore(%run_scoped3A : memref<!tpu.dma_semaphore, #tpu.memory_space<semaphore_mem>>)
        tpu.wait_dma2 semaphore(%run_scoped3A : memref<!tpu.dma_semaphore, #tpu.memory_space<semaphore_mem>>) src(%arg12 : memref<16x128xf32, #tpu.memory_space<vmem>>) dst(%arg15 : memref<16x128xf32, #tpu.memory_space<vmem_shared>>)
        tpu.yield
      }) : () -> ()
    } else {
    }
    "tpu.region"() ({
      %run_scoped3A = tpu.sem_alloc : memref<!tpu.dma_semaphore, #tpu.memory_space<semaphore_mem>>
      %dma_start3A_74 = arith.constant 0 : i32
      %dma_start3A_75 = arith.constant 0 : i32
      %dma_start3A_76 = tpu.memref_slice %arg4[%add3A, %dma_start3A_74, %dma_start3A_75] : memref<32x25x128xi32, #tpu.memory_space<hbm>> -> memref<1x25x128xi32, #tpu.memory_space<hbm>>
      %dma_start3A_77 = tpu.memref_squeeze %dma_start3A_76 : memref<1x25x128xi32, #tpu.memory_space<hbm>> -> memref<25x128xi32, #tpu.memory_space<hbm>>
      %dma_start3A_78 = arith.constant 0 : i32
      %dma_start3A_79 = arith.constant 0 : i32
      %dma_start3A_80 = tpu.memref_slice %arg4[%add3A, %dma_start3A_78, %dma_start3A_79] : memref<32x25x128xi32, #tpu.memory_space<hbm>> -> memref<1x25x128xi32, #tpu.memory_space<hbm>>
      %dma_start3A_81 = tpu.memref_squeeze %dma_start3A_80 : memref<1x25x128xi32, #tpu.memory_space<hbm>> -> memref<25x128xi32, #tpu.memory_space<hbm>>
      tpu.enqueue_dma source(%dma_start3A_81 : memref<25x128xi32, #tpu.memory_space<hbm>>) target(%arg10 : memref<25x128xi32, #tpu.memory_space<vmem>>) target_semaphore(%run_scoped3A : memref<!tpu.dma_semaphore, #tpu.memory_space<semaphore_mem>>)
      %dma_wait3A_82 = arith.constant 0 : i32
      %dma_wait3A_83 = arith.constant 0 : i32
      %dma_wait3A_84 = tpu.memref_slice %arg4[%add3A, %dma_wait3A_82, %dma_wait3A_83] : memref<32x25x128xi32, #tpu.memory_space<hbm>> -> memref<1x25x128xi32, #tpu.memory_space<hbm>>
      %dma_wait3A_85 = tpu.memref_squeeze %dma_wait3A_84 : memref<1x25x128xi32, #tpu.memory_space<hbm>> -> memref<25x128xi32, #tpu.memory_space<hbm>>
      %dma_wait3A_86 = arith.constant 0 : i32
      %dma_wait3A_87 = arith.constant 0 : i32
      %dma_wait3A_88 = tpu.memref_slice %arg4[%add3A, %dma_wait3A_86, %dma_wait3A_87] : memref<32x25x128xi32, #tpu.memory_space<hbm>> -> memref<1x25x128xi32, #tpu.memory_space<hbm>>
      %dma_wait3A_89 = tpu.memref_squeeze %dma_wait3A_88 : memref<1x25x128xi32, #tpu.memory_space<hbm>> -> memref<25x128xi32, #tpu.memory_space<hbm>>
      tpu.wait_dma2 semaphore(%run_scoped3A : memref<!tpu.dma_semaphore, #tpu.memory_space<semaphore_mem>>) src(%dma_wait3A_89 : memref<25x128xi32, #tpu.memory_space<hbm>>) dst(%arg10 : memref<25x128xi32, #tpu.memory_space<vmem>>)
      tpu.yield
    }) : () -> ()
    "tpu.region"() ({
      %run_scoped3A = tpu.sem_alloc : memref<!tpu.dma_semaphore, #tpu.memory_space<semaphore_mem>>
      %dma_start3A_74 = arith.constant 0 : i32
      %dma_start3A_75 = arith.constant 0 : i32
      %dma_start3A_76 = tpu.memref_slice %arg3[%add3A, %dma_start3A_74, %dma_start3A_75] : memref<32x25x128xf32, #tpu.memory_space<hbm>> -> memref<1x25x128xf32, #tpu.memory_space<hbm>>
      %dma_start3A_77 = tpu.memref_squeeze %dma_start3A_76 : memref<1x25x128xf32, #tpu.memory_space<hbm>> -> memref<25x128xf32, #tpu.memory_space<hbm>>
      %dma_start3A_78 = arith.constant 0 : i32
      %dma_start3A_79 = arith.constant 0 : i32
      %dma_start3A_80 = tpu.memref_slice %arg3[%add3A, %dma_start3A_78, %dma_start3A_79] : memref<32x25x128xf32, #tpu.memory_space<hbm>> -> memref<1x25x128xf32, #tpu.memory_space<hbm>>
      %dma_start3A_81 = tpu.memref_squeeze %dma_start3A_80 : memref<1x25x128xf32, #tpu.memory_space<hbm>> -> memref<25x128xf32, #tpu.memory_space<hbm>>
      tpu.enqueue_dma source(%dma_start3A_81 : memref<25x128xf32, #tpu.memory_space<hbm>>) target(%arg9 : memref<25x128xf32, #tpu.memory_space<vmem>>) target_semaphore(%run_scoped3A : memref<!tpu.dma_semaphore, #tpu.memory_space<semaphore_mem>>)
      %dma_wait3A_82 = arith.constant 0 : i32
      %dma_wait3A_83 = arith.constant 0 : i32
      %dma_wait3A_84 = tpu.memref_slice %arg3[%add3A, %dma_wait3A_82, %dma_wait3A_83] : memref<32x25x128xf32, #tpu.memory_space<hbm>> -> memref<1x25x128xf32, #tpu.memory_space<hbm>>
      %dma_wait3A_85 = tpu.memref_squeeze %dma_wait3A_84 : memref<1x25x128xf32, #tpu.memory_space<hbm>> -> memref<25x128xf32, #tpu.memory_space<hbm>>
      %dma_wait3A_86 = arith.constant 0 : i32
      %dma_wait3A_87 = arith.constant 0 : i32
      %dma_wait3A_88 = tpu.memref_slice %arg3[%add3A, %dma_wait3A_86, %dma_wait3A_87] : memref<32x25x128xf32, #tpu.memory_space<hbm>> -> memref<1x25x128xf32, #tpu.memory_space<hbm>>
      %dma_wait3A_89 = tpu.memref_squeeze %dma_wait3A_88 : memref<1x25x128xf32, #tpu.memory_space<hbm>> -> memref<25x128xf32, #tpu.memory_space<hbm>>
      tpu.wait_dma2 semaphore(%run_scoped3A : memref<!tpu.dma_semaphore, #tpu.memory_space<semaphore_mem>>) src(%dma_wait3A_89 : memref<25x128xf32, #tpu.memory_space<hbm>>) dst(%arg9 : memref<25x128xf32, #tpu.memory_space<vmem>>)
      tpu.yield
    }) : () -> ()
    %barrier3A = arith.constant 0 : index
    tpu.barrier barrier_id(%barrier3A)
    %add3A_19 = arith.constant 0 : i32
    %add3A_20 = arith.addi %mul3A_2, %add3A_19 : i32
    %dma_start3A = arith.constant 0 : i32
    %dma_start3A_21 = tpu.memref_slice %arg2[%add3A_20, %dma_start3A] : memref<102400x128xf32, #tpu.memory_space<hbm>> -> memref<128x128xf32, #tpu.memory_space<hbm>>
    %dma_start3A_22 = arith.constant 0 : i32
    %dma_start3A_23 = tpu.memref_slice %arg2[%add3A_20, %dma_start3A_22] : memref<102400x128xf32, #tpu.memory_space<hbm>> -> memref<128x128xf32, #tpu.memory_space<hbm>>
    tpu.enqueue_dma source(%dma_start3A_23 : memref<128x128xf32, #tpu.memory_space<hbm>>) target(%arg7 : memref<128x128xf32, #tpu.memory_space<vmem>>) target_semaphore(%arg16 : memref<!tpu.dma_semaphore, #tpu.memory_space<semaphore_mem>>)
    %add3A_24 = arith.constant 128 : i32
    %add3A_25 = arith.addi %mul3A_2, %add3A_24 : i32
    %dma_start3A_26 = arith.constant 0 : i32
    %dma_start3A_27 = tpu.memref_slice %arg2[%add3A_25, %dma_start3A_26] : memref<102400x128xf32, #tpu.memory_space<hbm>> -> memref<128x128xf32, #tpu.memory_space<hbm>>
    %dma_start3A_28 = arith.constant 0 : i32
    %dma_start3A_29 = tpu.memref_slice %arg2[%add3A_25, %dma_start3A_28] : memref<102400x128xf32, #tpu.memory_space<hbm>> -> memref<128x128xf32, #tpu.memory_space<hbm>>
    tpu.enqueue_dma source(%dma_start3A_29 : memref<128x128xf32, #tpu.memory_space<hbm>>) target(%arg8 : memref<128x128xf32, #tpu.memory_space<vmem>>) target_semaphore(%arg17 : memref<!tpu.dma_semaphore, #tpu.memory_space<semaphore_mem>>)
    %scan3A_30 = arith.constant 0 : i32
    %scan3A_31 = arith.constant 0 : i32
    %scan3A_32 = arith.constant 12 : i32
    %scan3A_33 = arith.addi %scan3A_31, %scan3A_32 : i32
    %scan3A_34 = arith.constant 1 : i32
    scf.for %scan3A_74 = %scan3A_31 to %scan3A_33 step %scan3A_34  : i32 {
      %mul3A_75 = arith.constant 2 : i32
      %mul3A_76 = arith.muli %mul3A_75, %scan3A_74 : i32
      %add3A_77 = arith.constant 0 : i32
      %add3A_78 = arith.addi %mul3A_76, %add3A_77 : i32
      %mul3A_79 = arith.constant 128 : i32
      %mul3A_80 = arith.muli %add3A_78, %mul3A_79 : i32
      %add3A_81 = arith.addi %mul3A_2, %mul3A_80 : i32
      %dma_wait3A_82 = arith.constant 0 : i32
      %dma_wait3A_83 = tpu.memref_slice %arg2[%add3A_81, %dma_wait3A_82] : memref<102400x128xf32, #tpu.memory_space<hbm>> -> memref<128x128xf32, #tpu.memory_space<hbm>>
      %dma_wait3A_84 = arith.constant 0 : i32
      %dma_wait3A_85 = tpu.memref_slice %arg2[%add3A_81, %dma_wait3A_84] : memref<102400x128xf32, #tpu.memory_space<hbm>> -> memref<128x128xf32, #tpu.memory_space<hbm>>
      tpu.wait_dma2 semaphore(%arg16 : memref<!tpu.dma_semaphore, #tpu.memory_space<semaphore_mem>>) src(%dma_wait3A_85 : memref<128x128xf32, #tpu.memory_space<hbm>>) dst(%arg7 : memref<128x128xf32, #tpu.memory_space<vmem>>)
      %dma_start3A_86 = arith.constant 0 : i32
      %dma_start3A_87 = tpu.memref_slice %arg10[%add3A_78, %dma_start3A_86] : memref<25x128xi32, #tpu.memory_space<vmem>> -> memref<1x128xi32, #tpu.memory_space<vmem>>
      %dma_start3A_88 = tpu.memref_squeeze %dma_start3A_87 : memref<1x128xi32, #tpu.memory_space<vmem>> -> memref<128xi32, #tpu.memory_space<vmem>>
      %dma_start3A_89 = arith.constant 0 : i32
      %dma_start3A_90 = arith.constant 0 : i32
      %dma_start3A_91 = tpu.memref_slice %arg14[%dma_start3A_89, %dma_start3A_90] : memref<1024x128xf32, #tpu.memory_space<vmem_shared>> -> memref<1024x128xf32, #tpu.memory_space<vmem_shared>>
      tpu.enqueue_indirect_dma source(%arg7 : memref<128x128xf32, #tpu.memory_space<vmem>>) target(%dma_start3A_91 : memref<1024x128xf32, #tpu.memory_space<vmem_shared>>) offsets(%dma_start3A_88 : memref<128xi32, #tpu.memory_space<vmem>>) semaphore(%arg18 : memref<!tpu.dma_semaphore, #tpu.memory_space<semaphore_mem>>) {add = true}
      %scan3A_92 = arith.constant 0 : i32
      %scan3A_93 = arith.constant 0 : i32
      %scan3A_94 = arith.constant 8 : i32
      %scan3A_95 = arith.addi %scan3A_93, %scan3A_94 : i32
      %scan3A_96 = arith.constant 1 : i32
      scf.for %scan3A_146 = %scan3A_93 to %scan3A_95 step %scan3A_96  : i32 {
        %mul3A_147 = arith.constant 16 : i32
        %mul3A_148 = arith.muli %scan3A_146, %mul3A_147 : i32
        %get3A = arith.index_cast %add3A_78 : i32 to index
        %get3A_149 = arith.index_cast %mul3A_148 : i32 to index
        %get3A_150 = tpu.vector_load %arg10[%get3A, %get3A_149] {strides = array<i32>} : memref<25x128xi32, #tpu.memory_space<vmem>>, vector<16xi32>,
        %mul3A_151 = arith.constant 16 : i32
        %mul3A_152 = arith.muli %scan3A_146, %mul3A_151 : i32
        %get3A_153 = arith.index_cast %add3A_78 : i32 to index
        %get3A_154 = arith.index_cast %mul3A_152 : i32 to index
        %get3A_155 = tpu.vector_load %arg9[%get3A_153, %get3A_154] {strides = array<i32>} : memref<25x128xf32, #tpu.memory_space<vmem>>, vector<16xf32>,
        %shift_right_logical3A = arith.constant 7 : i32
        %shift_right_logical3A_156 = vector.broadcast %shift_right_logical3A : i32 to vector<16xi32>
        %shift_right_logical3A_157 = arith.shrui %get3A_150, %shift_right_logical3A_156 : vector<16xi32>
        %and3A = arith.constant 127 : i32
        %and3A_158 = vector.broadcast %and3A : i32 to vector<16xi32>
        %and3A_159 = arith.andi %get3A_150, %and3A_158 : vector<16xi32>
        tpu.vector_store_idx %arg12[%shift_right_logical3A_157, %and3A_159], %get3A_155 {add = true} : memref<16x128xf32, #tpu.memory_space<vmem>>[vector<16xi32>, vector<16xi32>], vector<16xf32>,
      }
      %scan3A_97 = arith.constant 8 : i32
      %dma_wait3A_98 = arith.constant 0 : i32
      %dma_wait3A_99 = tpu.memref_slice %arg10[%add3A_78, %dma_wait3A_98] : memref<25x128xi32, #tpu.memory_space<vmem>> -> memref<1x128xi32, #tpu.memory_space<vmem>>
      %dma_wait3A_100 = tpu.memref_squeeze %dma_wait3A_99 : memref<1x128xi32, #tpu.memory_space<vmem>> -> memref<128xi32, #tpu.memory_space<vmem>>
      %dma_wait3A_101 = arith.constant 0 : i32
      %dma_wait3A_102 = arith.constant 0 : i32
      %dma_wait3A_103 = tpu.memref_slice %arg14[%dma_wait3A_101, %dma_wait3A_102] : memref<1024x128xf32, #tpu.memory_space<vmem_shared>> -> memref<1024x128xf32, #tpu.memory_space<vmem_shared>>
      tpu.wait_indirect_dma semaphore(%arg18 : memref<!tpu.dma_semaphore, #tpu.memory_space<semaphore_mem>>) src(%arg7 : memref<128x128xf32, #tpu.memory_space<vmem>>) dst(%dma_wait3A_103 : memref<1024x128xf32, #tpu.memory_space<vmem_shared>>)
      %add3A_104 = arith.constant 2 : i32
      %add3A_105 = arith.addi %add3A_78, %add3A_104 : i32
      %lt3A = arith.constant 25 : i32
      %lt3A_106 = arith.cmpi slt, %add3A_105, %lt3A : i32
      %convert_element_type3A_107 = arith.extui %lt3A_106 : i1 to i32
      %cond3A_108 = arith.constant 0 : i32
      %cond3A_109 = arith.cmpi ne, %convert_element_type3A_107, %cond3A_108 : i32
      scf.if %cond3A_109 {
        %mul3A_146 = arith.constant 128 : i32
        %mul3A_147 = arith.muli %add3A_105, %mul3A_146 : i32
        %add3A_148 = arith.addi %mul3A_2, %mul3A_147 : i32
        %dma_start3A_149 = arith.constant 0 : i32
        %dma_start3A_150 = tpu.memref_slice %arg2[%add3A_148, %dma_start3A_149] : memref<102400x128xf32, #tpu.memory_space<hbm>> -> memref<128x128xf32, #tpu.memory_space<hbm>>
        %dma_start3A_151 = arith.constant 0 : i32
        %dma_start3A_152 = tpu.memref_slice %arg2[%add3A_148, %dma_start3A_151] : memref<102400x128xf32, #tpu.memory_space<hbm>> -> memref<128x128xf32, #tpu.memory_space<hbm>>
        tpu.enqueue_dma source(%dma_start3A_152 : memref<128x128xf32, #tpu.memory_space<hbm>>) target(%arg7 : memref<128x128xf32, #tpu.memory_space<vmem>>) target_semaphore(%arg16 : memref<!tpu.dma_semaphore, #tpu.memory_space<semaphore_mem>>)
      } else {
      }
      %mul3A_110 = arith.constant 2 : i32
      %mul3A_111 = arith.muli %mul3A_110, %scan3A_74 : i32
      %add3A_112 = arith.constant 1 : i32
      %add3A_113 = arith.addi %mul3A_111, %add3A_112 : i32
      %mul3A_114 = arith.constant 128 : i32
      %mul3A_115 = arith.muli %add3A_113, %mul3A_114 : i32
      %add3A_116 = arith.addi %mul3A_2, %mul3A_115 : i32
      %dma_wait3A_117 = arith.constant 0 : i32
      %dma_wait3A_118 = tpu.memref_slice %arg2[%add3A_116, %dma_wait3A_117] : memref<102400x128xf32, #tpu.memory_space<hbm>> -> memref<128x128xf32, #tpu.memory_space<hbm>>
      %dma_wait3A_119 = arith.constant 0 : i32
      %dma_wait3A_120 = tpu.memref_slice %arg2[%add3A_116, %dma_wait3A_119] : memref<102400x128xf32, #tpu.memory_space<hbm>> -> memref<128x128xf32, #tpu.memory_space<hbm>>
      tpu.wait_dma2 semaphore(%arg17 : memref<!tpu.dma_semaphore, #tpu.memory_space<semaphore_mem>>) src(%dma_wait3A_120 : memref<128x128xf32, #tpu.memory_space<hbm>>) dst(%arg8 : memref<128x128xf32, #tpu.memory_space<vmem>>)
      %dma_start3A_121 = arith.constant 0 : i32
      %dma_start3A_122 = tpu.memref_slice %arg10[%add3A_113, %dma_start3A_121] : memref<25x128xi32, #tpu.memory_space<vmem>> -> memref<1x128xi32, #tpu.memory_space<vmem>>
      %dma_start3A_123 = tpu.memref_squeeze %dma_start3A_122 : memref<1x128xi32, #tpu.memory_space<vmem>> -> memref<128xi32, #tpu.memory_space<vmem>>
      %dma_start3A_124 = arith.constant 0 : i32
      %dma_start3A_125 = arith.constant 0 : i32
      %dma_start3A_126 = tpu.memref_slice %arg14[%dma_start3A_124, %dma_start3A_125] : memref<1024x128xf32, #tpu.memory_space<vmem_shared>> -> memref<1024x128xf32, #tpu.memory_space<vmem_shared>>
      tpu.enqueue_indirect_dma source(%arg8 : memref<128x128xf32, #tpu.memory_space<vmem>>) target(%dma_start3A_126 : memref<1024x128xf32, #tpu.memory_space<vmem_shared>>) offsets(%dma_start3A_123 : memref<128xi32, #tpu.memory_space<vmem>>) semaphore(%arg19 : memref<!tpu.dma_semaphore, #tpu.memory_space<semaphore_mem>>) {add = true}
      %scan3A_127 = arith.constant 0 : i32
      %scan3A_128 = arith.constant 0 : i32
      %scan3A_129 = arith.constant 8 : i32
      %scan3A_130 = arith.addi %scan3A_128, %scan3A_129 : i32
      %scan3A_131 = arith.constant 1 : i32
      scf.for %scan3A_146 = %scan3A_128 to %scan3A_130 step %scan3A_131  : i32 {
        %mul3A_147 = arith.constant 16 : i32
        %mul3A_148 = arith.muli %scan3A_146, %mul3A_147 : i32
        %get3A = arith.index_cast %add3A_113 : i32 to index
        %get3A_149 = arith.index_cast %mul3A_148 : i32 to index
        %get3A_150 = tpu.vector_load %arg10[%get3A, %get3A_149] {strides = array<i32>} : memref<25x128xi32, #tpu.memory_space<vmem>>, vector<16xi32>,
        %mul3A_151 = arith.constant 16 : i32
        %mul3A_152 = arith.muli %scan3A_146, %mul3A_151 : i32
        %get3A_153 = arith.index_cast %add3A_113 : i32 to index
        %get3A_154 = arith.index_cast %mul3A_152 : i32 to index
        %get3A_155 = tpu.vector_load %arg9[%get3A_153, %get3A_154] {strides = array<i32>} : memref<25x128xf32, #tpu.memory_space<vmem>>, vector<16xf32>,
        %shift_right_logical3A = arith.constant 7 : i32
        %shift_right_logical3A_156 = vector.broadcast %shift_right_logical3A : i32 to vector<16xi32>
        %shift_right_logical3A_157 = arith.shrui %get3A_150, %shift_right_logical3A_156 : vector<16xi32>
        %and3A = arith.constant 127 : i32
        %and3A_158 = vector.broadcast %and3A : i32 to vector<16xi32>
        %and3A_159 = arith.andi %get3A_150, %and3A_158 : vector<16xi32>
        tpu.vector_store_idx %arg12[%shift_right_logical3A_157, %and3A_159], %get3A_155 {add = true} : memref<16x128xf32, #tpu.memory_space<vmem>>[vector<16xi32>, vector<16xi32>], vector<16xf32>,
      }
      %scan3A_132 = arith.constant 8 : i32
      %dma_wait3A_133 = arith.constant 0 : i32
      %dma_wait3A_134 = tpu.memref_slice %arg10[%add3A_113, %dma_wait3A_133] : memref<25x128xi32, #tpu.memory_space<vmem>> -> memref<1x128xi32, #tpu.memory_space<vmem>>
      %dma_wait3A_135 = tpu.memref_squeeze %dma_wait3A_134 : memref<1x128xi32, #tpu.memory_space<vmem>> -> memref<128xi32, #tpu.memory_space<vmem>>
      %dma_wait3A_136 = arith.constant 0 : i32
      %dma_wait3A_137 = arith.constant 0 : i32
      %dma_wait3A_138 = tpu.memref_slice %arg14[%dma_wait3A_136, %dma_wait3A_137] : memref<1024x128xf32, #tpu.memory_space<vmem_shared>> -> memref<1024x128xf32, #tpu.memory_space<vmem_shared>>
      tpu.wait_indirect_dma semaphore(%arg19 : memref<!tpu.dma_semaphore, #tpu.memory_space<semaphore_mem>>) src(%arg8 : memref<128x128xf32, #tpu.memory_space<vmem>>) dst(%dma_wait3A_138 : memref<1024x128xf32, #tpu.memory_space<vmem_shared>>)
      %add3A_139 = arith.constant 2 : i32
      %add3A_140 = arith.addi %add3A_113, %add3A_139 : i32
      %lt3A_141 = arith.constant 25 : i32
      %lt3A_142 = arith.cmpi slt, %add3A_140, %lt3A_141 : i32
      %convert_element_type3A_143 = arith.extui %lt3A_142 : i1 to i32
      %cond3A_144 = arith.constant 0 : i32
      %cond3A_145 = arith.cmpi ne, %convert_element_type3A_143, %cond3A_144 : i32
      scf.if %cond3A_145 {
        %mul3A_146 = arith.constant 128 : i32
        %mul3A_147 = arith.muli %add3A_140, %mul3A_146 : i32
        %add3A_148 = arith.addi %mul3A_2, %mul3A_147 : i32
        %dma_start3A_149 = arith.constant 0 : i32
        %dma_start3A_150 = tpu.memref_slice %arg2[%add3A_148, %dma_start3A_149] : memref<102400x128xf32, #tpu.memory_space<hbm>> -> memref<128x128xf32, #tpu.memory_space<hbm>>
        %dma_start3A_151 = arith.constant 0 : i32
        %dma_start3A_152 = tpu.memref_slice %arg2[%add3A_148, %dma_start3A_151] : memref<102400x128xf32, #tpu.memory_space<hbm>> -> memref<128x128xf32, #tpu.memory_space<hbm>>
        tpu.enqueue_dma source(%dma_start3A_152 : memref<128x128xf32, #tpu.memory_space<hbm>>) target(%arg8 : memref<128x128xf32, #tpu.memory_space<vmem>>) target_semaphore(%arg17 : memref<!tpu.dma_semaphore, #tpu.memory_space<semaphore_mem>>)
      } else {
      }
    }
    %scan3A_35 = arith.constant 12 : i32
    %add3A_36 = arith.constant 3072 : i32
    %add3A_37 = arith.addi %mul3A_2, %add3A_36 : i32
    %dma_wait3A = arith.constant 0 : i32
    %dma_wait3A_38 = tpu.memref_slice %arg2[%add3A_37, %dma_wait3A] : memref<102400x128xf32, #tpu.memory_space<hbm>> -> memref<128x128xf32, #tpu.memory_space<hbm>>
    %dma_wait3A_39 = arith.constant 0 : i32
    %dma_wait3A_40 = tpu.memref_slice %arg2[%add3A_37, %dma_wait3A_39] : memref<102400x128xf32, #tpu.memory_space<hbm>> -> memref<128x128xf32, #tpu.memory_space<hbm>>
    tpu.wait_dma2 semaphore(%arg16 : memref<!tpu.dma_semaphore, #tpu.memory_space<semaphore_mem>>) src(%dma_wait3A_40 : memref<128x128xf32, #tpu.memory_space<hbm>>) dst(%arg7 : memref<128x128xf32, #tpu.memory_space<vmem>>)
    %dma_start3A_41 = arith.constant 24 : i32
    %dma_start3A_42 = arith.constant 0 : i32
    %dma_start3A_43 = tpu.memref_slice %arg10[%dma_start3A_41, %dma_start3A_42] : memref<25x128xi32, #tpu.memory_space<vmem>> -> memref<1x128xi32, #tpu.memory_space<vmem>>
    %dma_start3A_44 = tpu.memref_squeeze %dma_start3A_43 : memref<1x128xi32, #tpu.memory_space<vmem>> -> memref<128xi32, #tpu.memory_space<vmem>>
    %dma_start3A_45 = arith.constant 0 : i32
    %dma_start3A_46 = arith.constant 0 : i32
    %dma_start3A_47 = tpu.memref_slice %arg14[%dma_start3A_45, %dma_start3A_46] : memref<1024x128xf32, #tpu.memory_space<vmem_shared>> -> memref<1024x128xf32, #tpu.memory_space<vmem_shared>>
    tpu.enqueue_indirect_dma source(%arg7 : memref<128x128xf32, #tpu.memory_space<vmem>>) target(%dma_start3A_47 : memref<1024x128xf32, #tpu.memory_space<vmem_shared>>) offsets(%dma_start3A_44 : memref<128xi32, #tpu.memory_space<vmem>>) semaphore(%arg18 : memref<!tpu.dma_semaphore, #tpu.memory_space<semaphore_mem>>) {add = true}
    %scan3A_48 = arith.constant 0 : i32
    %scan3A_49 = arith.constant 0 : i32
    %scan3A_50 = arith.constant 8 : i32
    %scan3A_51 = arith.addi %scan3A_49, %scan3A_50 : i32
    %scan3A_52 = arith.constant 1 : i32
    scf.for %scan3A_74 = %scan3A_49 to %scan3A_51 step %scan3A_52  : i32 {
      %mul3A_75 = arith.constant 16 : i32
      %mul3A_76 = arith.muli %scan3A_74, %mul3A_75 : i32
      %get3A = arith.constant 24 : i32
      %get3A_77 = arith.index_cast %get3A : i32 to index
      %get3A_78 = arith.index_cast %mul3A_76 : i32 to index
      %get3A_79 = tpu.vector_load %arg10[%get3A_77, %get3A_78] {strides = array<i32>} : memref<25x128xi32, #tpu.memory_space<vmem>>, vector<16xi32>,
      %mul3A_80 = arith.constant 16 : i32
      %mul3A_81 = arith.muli %scan3A_74, %mul3A_80 : i32
      %get3A_82 = arith.constant 24 : i32
      %get3A_83 = arith.index_cast %get3A_82 : i32 to index
      %get3A_84 = arith.index_cast %mul3A_81 : i32 to index
      %get3A_85 = tpu.vector_load %arg9[%get3A_83, %get3A_84] {strides = array<i32>} : memref<25x128xf32, #tpu.memory_space<vmem>>, vector<16xf32>,
      %shift_right_logical3A = arith.constant 7 : i32
      %shift_right_logical3A_86 = vector.broadcast %shift_right_logical3A : i32 to vector<16xi32>
      %shift_right_logical3A_87 = arith.shrui %get3A_79, %shift_right_logical3A_86 : vector<16xi32>
      %and3A = arith.constant 127 : i32
      %and3A_88 = vector.broadcast %and3A : i32 to vector<16xi32>
      %and3A_89 = arith.andi %get3A_79, %and3A_88 : vector<16xi32>
      tpu.vector_store_idx %arg12[%shift_right_logical3A_87, %and3A_89], %get3A_85 {add = true} : memref<16x128xf32, #tpu.memory_space<vmem>>[vector<16xi32>, vector<16xi32>], vector<16xf32>,
    }
    %scan3A_53 = arith.constant 8 : i32
    %dma_wait3A_54 = arith.constant 24 : i32
    %dma_wait3A_55 = arith.constant 0 : i32
    %dma_wait3A_56 = tpu.memref_slice %arg10[%dma_wait3A_54, %dma_wait3A_55] : memref<25x128xi32, #tpu.memory_space<vmem>> -> memref<1x128xi32, #tpu.memory_space<vmem>>
    %dma_wait3A_57 = tpu.memref_squeeze %dma_wait3A_56 : memref<1x128xi32, #tpu.memory_space<vmem>> -> memref<128xi32, #tpu.memory_space<vmem>>
    %dma_wait3A_58 = arith.constant 0 : i32
    %dma_wait3A_59 = arith.constant 0 : i32
    %dma_wait3A_60 = tpu.memref_slice %arg14[%dma_wait3A_58, %dma_wait3A_59] : memref<1024x128xf32, #tpu.memory_space<vmem_shared>> -> memref<1024x128xf32, #tpu.memory_space<vmem_shared>>
    tpu.wait_indirect_dma semaphore(%arg18 : memref<!tpu.dma_semaphore, #tpu.memory_space<semaphore_mem>>) src(%arg7 : memref<128x128xf32, #tpu.memory_space<vmem>>) dst(%dma_wait3A_60 : memref<1024x128xf32, #tpu.memory_space<vmem_shared>>)
    "tpu.region"() ({
      %run_scoped3A = tpu.sem_alloc : memref<!tpu.dma_semaphore, #tpu.memory_space<semaphore_mem>>
      %dma_start3A_74 = arith.constant 0 : i32
      %dma_start3A_75 = arith.constant 0 : i32
      %dma_start3A_76 = tpu.memref_slice %arg15[%dma_start3A_74, %dma_start3A_75] : memref<16x128xf32, #tpu.memory_space<vmem_shared>> -> memref<16x128xf32, #tpu.memory_space<vmem_shared>>
      tpu.enqueue_indirect_dma source(%arg12 : memref<16x128xf32, #tpu.memory_space<vmem>>) target(%dma_start3A_76 : memref<16x128xf32, #tpu.memory_space<vmem_shared>>) offsets(%arg13 : memref<16xi32, #tpu.memory_space<vmem>>) semaphore(%run_scoped3A : memref<!tpu.dma_semaphore, #tpu.memory_space<semaphore_mem>>) {add = true}
      %dma_wait3A_77 = arith.constant 0 : i32
      %dma_wait3A_78 = arith.constant 0 : i32
      %dma_wait3A_79 = tpu.memref_slice %arg15[%dma_wait3A_77, %dma_wait3A_78] : memref<16x128xf32, #tpu.memory_space<vmem_shared>> -> memref<16x128xf32, #tpu.memory_space<vmem_shared>>
      tpu.wait_indirect_dma semaphore(%run_scoped3A : memref<!tpu.dma_semaphore, #tpu.memory_space<semaphore_mem>>) src(%arg12 : memref<16x128xf32, #tpu.memory_space<vmem>>) dst(%dma_wait3A_79 : memref<16x128xf32, #tpu.memory_space<vmem_shared>>)
      tpu.yield
    }) : () -> ()
    %barrier3A_61 = arith.constant 0 : index
    tpu.barrier barrier_id(%barrier3A_61)
    %mul3A_62 = arith.constant 1024 : i32
    %mul3A_63 = arith.muli %arg0, %mul3A_62 : i32
    %mul3A_64 = arith.constant 64 : i32
    %mul3A_65 = arith.muli %arg1, %mul3A_64 : i32
    %add3A_66 = arith.addi %mul3A_63, %mul3A_65 : i32
    %mul3A_67 = arith.constant 64 : i32
    %mul3A_68 = arith.muli %arg1, %mul3A_67 : i32
    "tpu.region"() ({
      %run_scoped3A = tpu.sem_alloc : memref<!tpu.dma_semaphore, #tpu.memory_space<semaphore_mem>>
      %dma_start3A_74 = arith.constant 0 : i32
      %dma_start3A_75 = tpu.memref_slice %arg5[%add3A_66, %dma_start3A_74] : memref<2048x128xf32, #tpu.memory_space<hbm>> -> memref<64x128xf32, #tpu.memory_space<hbm>>
      %dma_start3A_76 = arith.constant 0 : i32
      %dma_start3A_77 = tpu.memref_slice %arg14[%mul3A_68, %dma_start3A_76] : memref<1024x128xf32, #tpu.memory_space<vmem_shared>> -> memref<64x128xf32, #tpu.memory_space<vmem_shared>>
      tpu.enqueue_dma source(%dma_start3A_77 : memref<64x128xf32, #tpu.memory_space<vmem_shared>>) target(%dma_start3A_75 : memref<64x128xf32, #tpu.memory_space<hbm>>) target_semaphore(%run_scoped3A : memref<!tpu.dma_semaphore, #tpu.memory_space<semaphore_mem>>)
      %dma_wait3A_78 = arith.constant 0 : i32
      %dma_wait3A_79 = tpu.memref_slice %arg5[%add3A_66, %dma_wait3A_78] : memref<2048x128xf32, #tpu.memory_space<hbm>> -> memref<64x128xf32, #tpu.memory_space<hbm>>
      %dma_wait3A_80 = arith.constant 0 : i32
      %dma_wait3A_81 = tpu.memref_slice %arg14[%mul3A_68, %dma_wait3A_80] : memref<1024x128xf32, #tpu.memory_space<vmem_shared>> -> memref<64x128xf32, #tpu.memory_space<vmem_shared>>
      tpu.wait_dma2 semaphore(%run_scoped3A : memref<!tpu.dma_semaphore, #tpu.memory_space<semaphore_mem>>) src(%dma_wait3A_81 : memref<64x128xf32, #tpu.memory_space<vmem_shared>>) dst(%dma_wait3A_79 : memref<64x128xf32, #tpu.memory_space<hbm>>)
      tpu.yield
    }) : () -> ()
    %eq3A_69 = arith.constant 0 : i32
    %eq3A_70 = arith.cmpi eq, %arg1, %eq3A_69 : i32
    %convert_element_type3A_71 = arith.extui %eq3A_70 : i1 to i32
    %cond3A_72 = arith.constant 0 : i32
    %cond3A_73 = arith.cmpi ne, %convert_element_type3A_71, %cond3A_72 : i32
    scf.if %cond3A_73 {
      %mul3A_74 = arith.constant 16 : i32
      %mul3A_75 = arith.muli %arg0, %mul3A_74 : i32
      "tpu.region"() ({
        %run_scoped3A = tpu.sem_alloc : memref<!tpu.dma_semaphore, #tpu.memory_space<semaphore_mem>>
        %dma_start3A_76 = arith.constant 0 : i32
        %dma_start3A_77 = tpu.memref_slice %arg6[%mul3A_75, %dma_start3A_76] : memref<32x128xf32, #tpu.memory_space<hbm>> -> memref<16x128xf32, #tpu.memory_space<hbm>>
        tpu.enqueue_dma source(%arg15 : memref<16x128xf32, #tpu.memory_space<vmem_shared>>) target(%dma_start3A_77 : memref<16x128xf32, #tpu.memory_space<hbm>>) target_semaphore(%run_scoped3A : memref<!tpu.dma_semaphore, #tpu.memory_space<semaphore_mem>>)
        %dma_wait3A_78 = arith.constant 0 : i32
        %dma_wait3A_79 = tpu.memref_slice %arg6[%mul3A_75, %dma_wait3A_78] : memref<32x128xf32, #tpu.memory_space<hbm>> -> memref<16x128xf32, #tpu.memory_space<hbm>>
        tpu.wait_dma2 semaphore(%run_scoped3A : memref<!tpu.dma_semaphore, #tpu.memory_space<semaphore_mem>>) src(%arg15 : memref<16x128xf32, #tpu.memory_space<vmem_shared>>) dst(%dma_wait3A_79 : memref<16x128xf32, #tpu.memory_space<hbm>>)
        tpu.yield
      }) : () -> ()
    } else {
    }
    return
  }
}

module attributes {stable_mosaic.version = 14 : i64} {
  func.func @_stage1_body(%arg0: i32, %arg1: memref<10240x128xf32, #tpu.memory_space<vmem>>, %arg2: memref<128x1xf32, #tpu.memory_space<vmem>>, %arg3: memref<1x1xf32, #tpu.memory_space<vmem>>, %arg4: memref<128x128xf32, #tpu.memory_space<vmem>>, %arg5: memref<1x128xf32, #tpu.memory_space<vmem>>, %arg6: memref<10240x128xf32, #tpu.memory_space<vmem>>, %arg7: memref<80x128xf32, #tpu.memory_space<vmem>>) attributes {dimension_semantics = [#tpu.dimension_semantics<arbitrary>], iteration_bounds = array<i64: 10>, scalar_prefetch = 0 : i64, scratch_operands = 0 : i64, tpu.core_type = #tpu.core_type<tc>, window_params = [{transform_indices = @transform_0, window_bounds = array<i64: 10240, 128>}, {pipeline_mode = #tpu.pipeline_mode<synchronous>, transform_indices = @transform_1, window_bounds = array<i64: 128, 1>}, {pipeline_mode = #tpu.pipeline_mode<synchronous>, transform_indices = @transform_2, window_bounds = array<i64: 1, 1>}, {pipeline_mode = #tpu.pipeline_mode<synchronous>, transform_indices = @transform_3, window_bounds = array<i64: 128, 128>}, {pipeline_mode = #tpu.pipeline_mode<synchronous>, transform_indices = @transform_4, window_bounds = array<i64: 1, 128>}, {transform_indices = @transform_5, window_bounds = array<i64: 10240, 128>}, {transform_indices = @transform_6, window_bounds = array<i64: 80, 128>}]} {
    %get3A = arith.constant 0 : index
    %get3A_0 = arith.constant 0 : index
    %get3A_1 = vector.load %arg1[%get3A, %get3A_0] : memref<10240x128xf32, #tpu.memory_space<vmem>>, vector<10240x128xf32>
    %get3A_2 = arith.constant 0 : index
    %get3A_3 = arith.constant 0 : index
    %get3A_4 = vector.load %arg2[%get3A_2, %get3A_3] : memref<128x1xf32, #tpu.memory_space<vmem>>, vector<128x1xf32>
    %dot_general3A = arith.constant dense<0.000000e+00> : vector<10240x1xf32>
    %dot_general3A_5 = tpu.matmul %get3A_1, %get3A_4, %dot_general3A {dimension_numbers = #tpu.dot_dimension_numbers<[1], [0], [0], [1], [0, 0, 1, 1], [], []>, transpose_lhs_hint = false} : vector<10240x128xf32>, vector<128x1xf32>, vector<10240x1xf32> -> vector<10240x1xf32>
    %get3A_6 = arith.constant 0 : index
    %get3A_7 = arith.constant 0 : index
    %get3A_8 = vector.load %arg3[%get3A_6, %get3A_7] : memref<1x1xf32, #tpu.memory_space<vmem>>, vector<1x1xf32>
    %get3A_9 = vector.extract %get3A_8[0, 0] : f32 from vector<1x1xf32>
    %add3A = vector.broadcast %get3A_9 : f32 to vector<10240x1xf32>
    %add3A_10 = arith.addf %dot_general3A_5, %add3A : vector<10240x1xf32>
    %exp3A = math.exp %add3A_10 : vector<10240x1xf32>
    %get3A_11 = arith.constant 0 : index
    %get3A_12 = arith.constant 0 : index
    %get3A_13 = vector.load %arg4[%get3A_11, %get3A_12] : memref<128x128xf32, #tpu.memory_space<vmem>>, vector<128x128xf32>
    %dot_general3A_14 = arith.constant dense<0.000000e+00> : vector<10240x128xf32>
    %dot_general3A_15 = tpu.matmul %get3A_1, %get3A_13, %dot_general3A_14 {dimension_numbers = #tpu.dot_dimension_numbers<[1], [0], [0], [1], [0, 0, 1, 1], [], []>, transpose_lhs_hint = false} : vector<10240x128xf32>, vector<128x128xf32>, vector<10240x128xf32> -> vector<10240x128xf32>
    %get3A_16 = arith.constant 0 : index
    %get3A_17 = arith.constant 0 : index
    %get3A_18 = vector.load %arg5[%get3A_16, %get3A_17] : memref<1x128xf32, #tpu.memory_space<vmem>>, vector<1x128xf32>
    %add3A_19 = vector.broadcast %get3A_18 : vector<1x128xf32> to vector<10240x128xf32>
    %add3A_20 = arith.addf %dot_general3A_15, %add3A_19 : vector<10240x128xf32>
    %ge3A = arith.constant 0.000000e+00 : f32
    %ge3A_21 = vector.broadcast %ge3A : f32 to vector<10240x128xf32>
    %ge3A_22 = arith.cmpf oge, %add3A_20, %ge3A_21 : vector<10240x128xf32>
    %mul3A = arith.constant 0.00999999977 : f32
    %mul3A_23 = vector.broadcast %mul3A : f32 to vector<10240x128xf32>
    %mul3A_24 = arith.mulf %mul3A_23, %add3A_20 : vector<10240x128xf32>
    %select_n3A = arith.select %ge3A_22, %add3A_20, %mul3A_24 : vector<10240x128xi1>, vector<10240x128xf32>
    %mul3A_25 = arith.constant 10240 : i32
    %mul3A_26 = arith.muli %arg0, %mul3A_25 : i32
    %iota3A = tpu.iota {dimensions = array<i32: 0>} : vector<10240x1xi32>
    %add3A_27 = vector.broadcast %mul3A_26 : i32 to vector<10240x1xi32>
    %add3A_28 = arith.addi %add3A_27, %iota3A : vector<10240x1xi32>
    %lt3A = arith.constant 100000 : i32
    %lt3A_29 = vector.broadcast %lt3A : i32 to vector<10240x1xi32>
    %lt3A_30 = arith.cmpi slt, %add3A_28, %lt3A_29 : vector<10240x1xi32>
    %jit3A = arith.constant 0.000000e+00 : f32
    %broadcast_in_dim3A = vector.broadcast %jit3A : f32 to vector<10240x1xf32>
    %select_n3A_31 = arith.select %lt3A_30, %exp3A, %broadcast_in_dim3A : vector<10240x1xi1>, vector<10240x1xf32>
    %mul3A_32 = vector.broadcast %select_n3A_31 : vector<10240x1xf32> to vector<10240x128xf32>
    %mul3A_33 = arith.mulf %mul3A_32, %select_n3A : vector<10240x128xf32>
    %jit3A_34 = arith.constant 0.000000e+00 : f32
    %broadcast_in_dim3A_35 = vector.shape_cast %lt3A_30 : vector<10240x1xi1> to vector<10240x1xi1>
    %broadcast_in_dim3A_36 = vector.broadcast %broadcast_in_dim3A_35 : vector<10240x1xi1> to vector<10240x128xi1>
    %broadcast_in_dim3A_37 = vector.broadcast %jit3A_34 : f32 to vector<10240x128xf32>
    %select_n3A_38 = arith.select %broadcast_in_dim3A_36, %mul3A_33, %broadcast_in_dim3A_37 : vector<10240x128xi1>, vector<10240x128xf32>
    %swap3A = arith.constant 0 : index
    %swap3A_39 = arith.constant 0 : index
    %swap3A_40 = vector.load %arg6[%swap3A, %swap3A_39] : memref<10240x128xf32, #tpu.memory_space<vmem>>, vector<10240x128xf32>
    tpu.vector_store %arg6[%swap3A, %swap3A_39], %select_n3A_38 {strides = array<i32>} : memref<10240x128xf32, #tpu.memory_space<vmem>>, vector<10240x128xf32>,
    %reshape3A = vector.shape_cast %select_n3A_31 : vector<10240x1xf32> to vector<80x128xf32>
    %swap3A_41 = arith.constant 0 : index
    %swap3A_42 = arith.constant 0 : index
    %swap3A_43 = vector.load %arg7[%swap3A_41, %swap3A_42] : memref<80x128xf32, #tpu.memory_space<vmem>>, vector<80x128xf32>
    tpu.vector_store %arg7[%swap3A_41, %swap3A_42], %reshape3A {strides = array<i32>} : memref<80x128xf32, #tpu.memory_space<vmem>>, vector<80x128xf32>,
    return
  }
  func.func @transform_0(%arg0: i32) -> (i32, i32) {
    %min3A = arith.constant 9 : i32
    %min3A_0 = arith.minsi %arg0, %min3A : i32
    %c0_i32 = arith.constant 0 : i32
    %c0_i32_1 = arith.constant 0 : i32
    return %min3A_0, %c0_i32 : i32, i32
  }
  func.func @transform_1(%arg0: i32) -> (i32, i32) {
    %c0_i32 = arith.constant 0 : i32
    %c0_i32_0 = arith.constant 0 : i32
    %c0_i32_1 = arith.constant 0 : i32
    return %c0_i32, %c0_i32_0 : i32, i32
  }
  func.func @transform_2(%arg0: i32) -> (i32, i32) {
    %c0_i32 = arith.constant 0 : i32
    %c0_i32_0 = arith.constant 0 : i32
    %c0_i32_1 = arith.constant 0 : i32
    return %c0_i32, %c0_i32_0 : i32, i32
  }
  func.func @transform_3(%arg0: i32) -> (i32, i32) {
    %c0_i32 = arith.constant 0 : i32
    %c0_i32_0 = arith.constant 0 : i32
    %c0_i32_1 = arith.constant 0 : i32
    return %c0_i32, %c0_i32_0 : i32, i32
  }
  func.func @transform_4(%arg0: i32) -> (i32, i32) {
    %c0_i32 = arith.constant 0 : i32
    %c0_i32_0 = arith.constant 0 : i32
    %c0_i32_1 = arith.constant 0 : i32
    return %c0_i32, %c0_i32_0 : i32, i32
  }
  func.func @transform_5(%arg0: i32) -> (i32, i32) {
    %c0_i32 = arith.constant 0 : i32
    %c0_i32_0 = arith.constant 0 : i32
    return %arg0, %c0_i32 : i32, i32
  }
  func.func @transform_6(%arg0: i32) -> (i32, i32) {
    %c0_i32 = arith.constant 0 : i32
    %c0_i32_0 = arith.constant 0 : i32
    return %arg0, %c0_i32 : i32, i32
  }
}

module attributes {stable_mosaic.version = 14 : i64} {
  func.func @_stage3_body(%arg0: memref<2048x128xf32, #tpu.memory_space<vmem>>, %arg1: memref<1024x1xf32, #tpu.memory_space<vmem>>, %arg2: memref<1024x1xf32, #tpu.memory_space<vmem>>, %arg3: memref<1024x128xf32, #tpu.memory_space<vmem>>, %arg4: memref<128x128xf32, #tpu.memory_space<vmem>>, %arg5: memref<128x128xf32, #tpu.memory_space<vmem>>, %arg6: memref<1x128xf32, #tpu.memory_space<vmem>>, %arg7: memref<1024x128xf32, #tpu.memory_space<vmem>>) attributes {dimension_semantics = [], scalar_prefetch = 0 : i64, scratch_operands = 0 : i64, tpu.core_type = #tpu.core_type<tc>} {
    %get3A = arith.constant 0 : index
    %get3A_0 = arith.constant 0 : index
    %get3A_1 = vector.load %arg0[%get3A, %get3A_0] : memref<2048x128xf32, #tpu.memory_space<vmem>>, vector<1024x128xf32>
    %get3A_2 = arith.constant 1024 : index
    %get3A_3 = arith.constant 0 : index
    %get3A_4 = vector.load %arg0[%get3A_2, %get3A_3] : memref<2048x128xf32, #tpu.memory_space<vmem>>, vector<1024x128xf32>
    %add3A = arith.addf %get3A_1, %get3A_4 : vector<1024x128xf32>
    %get3A_5 = arith.constant 0 : index
    %get3A_6 = arith.constant 0 : index
    %get3A_7 = vector.load %arg1[%get3A_5, %get3A_6] : memref<1024x1xf32, #tpu.memory_space<vmem>>, vector<1024x1xf32>
    %get3A_8 = arith.constant 0 : index
    %get3A_9 = arith.constant 0 : index
    %get3A_10 = vector.load %arg2[%get3A_8, %get3A_9] : memref<1024x1xf32, #tpu.memory_space<vmem>>, vector<1024x1xf32>
    %add3A_11 = arith.addf %get3A_7, %get3A_10 : vector<1024x1xf32>
    %add3A_12 = arith.constant 1.000000e-16 : f32
    %add3A_13 = vector.broadcast %add3A_12 : f32 to vector<1024x1xf32>
    %add3A_14 = arith.addf %add3A_11, %add3A_13 : vector<1024x1xf32>
    %div3A = vector.broadcast %add3A_14 : vector<1024x1xf32> to vector<1024x128xf32>
    %div3A_15 = arith.divf %add3A, %div3A : vector<1024x128xf32>
    %get3A_16 = arith.constant 0 : index
    %get3A_17 = arith.constant 0 : index
    %get3A_18 = vector.load %arg3[%get3A_16, %get3A_17] : memref<1024x128xf32, #tpu.memory_space<vmem>>, vector<1024x128xf32>
    %get3A_19 = arith.constant 0 : index
    %get3A_20 = arith.constant 0 : index
    %get3A_21 = vector.load %arg4[%get3A_19, %get3A_20] : memref<128x128xf32, #tpu.memory_space<vmem>>, vector<128x128xf32>
    %dot_general3A = arith.constant dense<0.000000e+00> : vector<1024x128xf32>
    %dot_general3A_22 = tpu.matmul %div3A_15, %get3A_21, %dot_general3A {dimension_numbers = #tpu.dot_dimension_numbers<[1], [0], [0], [1], [0, 0, 1, 1], [], []>, transpose_lhs_hint = false} : vector<1024x128xf32>, vector<128x128xf32>, vector<1024x128xf32> -> vector<1024x128xf32>
    %get3A_23 = arith.constant 0 : index
    %get3A_24 = arith.constant 0 : index
    %get3A_25 = vector.load %arg5[%get3A_23, %get3A_24] : memref<128x128xf32, #tpu.memory_space<vmem>>, vector<128x128xf32>
    %dot_general3A_26 = arith.constant dense<0.000000e+00> : vector<1024x128xf32>
    %dot_general3A_27 = tpu.matmul %get3A_18, %get3A_25, %dot_general3A_26 {dimension_numbers = #tpu.dot_dimension_numbers<[1], [0], [0], [1], [0, 0, 1, 1], [], []>, transpose_lhs_hint = false} : vector<1024x128xf32>, vector<128x128xf32>, vector<1024x128xf32> -> vector<1024x128xf32>
    %add3A_28 = arith.addf %dot_general3A_22, %dot_general3A_27 : vector<1024x128xf32>
    %get3A_29 = arith.constant 0 : index
    %get3A_30 = arith.constant 0 : index
    %get3A_31 = vector.load %arg6[%get3A_29, %get3A_30] : memref<1x128xf32, #tpu.memory_space<vmem>>, vector<1x128xf32>
    %add3A_32 = vector.broadcast %get3A_31 : vector<1x128xf32> to vector<1024x128xf32>
    %add3A_33 = arith.addf %add3A_28, %add3A_32 : vector<1024x128xf32>
    %ge3A = arith.constant 0.000000e+00 : f32
    %ge3A_34 = vector.broadcast %ge3A : f32 to vector<1024x128xf32>
    %ge3A_35 = arith.cmpf oge, %add3A_33, %ge3A_34 : vector<1024x128xf32>
    %mul3A = arith.constant 0.00999999977 : f32
    %mul3A_36 = vector.broadcast %mul3A : f32 to vector<1024x128xf32>
    %mul3A_37 = arith.mulf %mul3A_36, %add3A_33 : vector<1024x128xf32>
    %select_n3A = arith.select %ge3A_35, %add3A_33, %mul3A_37 : vector<1024x128xi1>, vector<1024x128xf32>
    %add3A_38 = arith.addf %select_n3A, %get3A_18 : vector<1024x128xf32>
    %swap3A = arith.constant 0 : index
    %swap3A_39 = arith.constant 0 : index
    %swap3A_40 = vector.load %arg7[%swap3A, %swap3A_39] : memref<1024x128xf32, #tpu.memory_space<vmem>>, vector<1024x128xf32>
    tpu.vector_store %arg7[%swap3A, %swap3A_39], %add3A_38 {strides = array<i32>} : memref<1024x128xf32, #tpu.memory_space<vmem>>, vector<1024x128xf32>,
    return
  }
}

</mosaic_0001>

<sc_bundles>
// kernel: kernel.5.cloned.1.call-start
scs
__scs_entry_jumppad:
0x0: {  	(pc) =	sbr.rel $0x88, $3  }
0x1: {  	(tag) =	ssettag $0x0;
	lr =	simm.s32 $0x1  }
0x2: {  	[smem:$0x3F98] =	sst lr;
	_ =	strace $0xD0000000  }
0x3: {  	_ = 	snop  }
0x4: {  	_ = 	snop  }
0x5: {  	_ = 	snop  }
0x6: {  	_ = 	snop  }
0x7: {  	_ = 	snop  }
__scs_overlays_trampoline_lowered:
0x8: {  	[smem:$0x3FA7] =	sst s0  }
0x9: {  	[smem:$0x3FA8] =	sst s1  }
0xa: {  	[smem:$0x3FA9] =	sst s2  }
0xb: {  	[smem:$0x3FAA] =	sst s3  }
0xc: {  	[smem:$0x3FAB] =	sst s4  }
0xd: {  	[smem:$0x3FAC] =	sst s5  }
0xe: {  	[smem:$0x3FAD] =	sst s6  }
0xf: {  	[smem:$0x3FAE] =	sst s7  }
0x10: {  	[smem:$0x3FAF] =	sst s8  }
0x11: {  	[smem:$0x3FB0] =	sst s9;
	s0 =	simm.s32 @!p0 $0x0  }
0x12: {  	s1 =	sld [smem:$0x3F96];
	s0 =	simm.s32 @p0 $0x1  }
0x13: {  	[smem:$0x3FB1] =	sst s0;
	s0 =	simm.s32 @!p1 $0x0  }
0x14: {  	s2 =	sld [smem:$0x3F95];
	s0 =	simm.s32 @p1 $0x1  }
0x15: {  	[smem:$0x3FB2] =	sst s0;
	s0 =	simm.s32 @!p2 $0x0  }
0x16: {  	s3 =	sld [smem:$0x3FDB];
	s0 =	simm.s32 @p2 $0x1  }
0x17: {  	s4 =	simm.s32 $0x1BF5;
	[smem:$0x3FB4] =	sst s0  }
0x18: {  	s0 =	sld [smem:$0x3F97];
	_ =	swait.ge [sflag:s4], $0x0  }
0x19: {  	s7 =	sld [smem:$0x3F98]  }
0x1a: {  	s8 =	sadd.s32 $0xFFFFE003, lr  }
0x1b: {  	s9 =	sadd.s32 $0xFFFFFEF7, lr;
	s5 =	simm.s32 $0xFFFFFFFF;
	p2 =	slt.u32 s8, $0xFFFFF086  }
0x1c: {  	p1 =	slt.u32 s9, $0xF7A;
	s5 =	simm.s32 @!p2 $0x0  }
0x1d: {  	s5 =	simm.s32 @p1 $0x1;
	p0 =	seq.s32 s7, s2  }
0x1e: {  	s7 =	smul.u32 @!p0 $0xF7A, s2;
	p2 =	seq.s32 @!p0 s5, $0x0  }
0x1f: {  	s9 =	smul.u32 $0xF7A, s1;
	s8 =	simm.s32 @!p0 $0x1BF5;
	p2 =	por !p2, p0  }
0x20: {  	[sflag:s8] =	ssyncset.s32 @!p0 $0xFFFFF086;
	s6 =	sadd.s32 @!p0 s3, s7;
	s7 =	simm.s32 @!p0 $0x108  }
0x21: {  	s3 =	sadd.s32 s3, s9;
	s6 =	sadd.s32 @!p0 $0x88, s6;
	s7 =	simm.s32 @p2 $0x1082  }
0x22: {  	[simem:s7], [sflag:s8] =	dma.local @!p0 [hbm:s6], $0xF7A  }
0x23: {  	s9 =	sor.u32 $0xD0000000, s2;
	s6 =	simm.s32 $0x108;
	_ =	swait.ge @!p0 [sflag:s8], $0x0  }
0x24: {  	s3 =	sadd.s32 $0x88, s3;
	s6 =	simm.s32 @!p1 $0x1082;
	[sflag:s4] =	ssyncset.s32 $0xFFFFF086  }
0x25: {  	[simem:s6], [sflag:s4] =	dma.local [hbm:s3], $0xF7A  }
0x26: {  	[smem:$0x3F98] =	sst s1;
	(tag) =	ssettag s2;
	_ =	strace s9  }
0x27: {  	s1 =	sld [smem:$0x3FA8]  }
0x28: {  	s2 =	sld [smem:$0x3FA9]  }
0x29: {  	s4 =	sld [smem:$0x3FAB]  }
0x2a: {  	p0 =	seq.s32 s5, $0x0;
	s5 =	sld [smem:$0x3FAC]  }
0x2b: {  	s6 =	sld [smem:$0x3FAD]  }
0x2c: {  	s7 =	sld [smem:$0x3FAE]  }
0x2d: {  	s3 =	simm.s32 $0x108;
	s8 =	sld [smem:$0x3FAF]  }
0x2e: {  	s3 =	simm.s32 @!p0 $0x1082;
	s9 =	sld [smem:$0x3FB0]  }
0x2f: {  	lr =	sadd.s32 s0, s3;
	s0 =	sld [smem:$0x3FA7]  }
0x30: {  	s3 =	sld [smem:$0x3FAA]  }
0x31: {  	[smem:$0x3FB3] =	sst s10  }
0x32: {  	s10 =	sld [smem:$0x3FB1];
	_ =	sdelay $0x3  }
0x33: {  	p0 =	seq.s32 s10, $0x1;
	s10 =	sld [smem:$0x3FB3];
	_ =	sdelay $0x3  }
0x34: {  	[smem:$0x3FB3] =	sst s10  }
0x35: {  	s10 =	sld [smem:$0x3FB2];
	_ =	sdelay $0x3  }
0x36: {  	p1 =	seq.s32 s10, $0x1;
	s10 =	sld [smem:$0x3FB3];
	_ =	sdelay $0x3  }
0x37: {  	[smem:$0x3FB3] =	sst s10  }
0x38: {  	s10 =	sld [smem:$0x3FB4]  }
0x39: {  	_ = 	snop;
	(pc) =	sbr.ind lr, $3  }
0x3a: {  	_ = 	snop  }
0x3b: {  	_ = 	snop  }
0x3c: {  	p2 =	seq.s32 s10, $0x1;
	s10 =	sld [smem:$0x3FB3]  }
0x3d: {  	_ =	shalt  }
0x3e: {  	_ =	shalt  }
0x3f: {  	_ =	shalt  }
0x40: {  	_ =	shalt  }
0x41: {  	_ =	shalt  }
0x42: {  	_ =	shalt  }
0x43: {  	_ =	shalt  }
0x44: {  	_ =	shalt  }
0x45: {  	_ =	shalt  }
0x46: {  	_ =	shalt  }
0x47: {  	_ =	shalt  }
0x48: {  	_ =	shalt  }
0x49: {  	_ =	shalt  }
0x4a: {  	_ =	shalt  }
0x4b: {  	_ =	shalt  }
0x4c: {  	_ =	shalt  }
0x4d: {  	_ =	shalt  }
0x4e: {  	_ =	shalt  }
0x4f: {  	_ =	shalt  }
0x50: {  	_ =	shalt  }
0x51: {  	_ =	shalt  }
0x52: {  	_ =	shalt  }
0x53: {  	_ =	shalt  }
0x54: {  	_ =	shalt  }
0x55: {  	_ =	shalt  }
0x56: {  	_ =	shalt  }
0x57: {  	_ =	shalt  }
0x58: {  	_ =	shalt  }
0x59: {  	_ =	shalt  }
0x5a: {  	_ =	shalt  }
0x5b: {  	_ =	shalt  }
0x5c: {  	_ =	shalt  }
0x5d: {  	_ =	shalt  }
0x5e: {  	_ =	shalt  }
0x5f: {  	_ =	shalt  }
0x60: {  	_ =	shalt  }
0x61: {  	_ =	shalt  }
0x62: {  	_ =	shalt  }
0x63: {  	_ =	shalt  }
0x64: {  	_ =	shalt  }
0x65: {  	_ =	shalt  }
0x66: {  	_ =	shalt  }
0x67: {  	_ =	shalt  }
0x68: {  	_ =	shalt  }
0x69: {  	_ =	shalt  }
0x6a: {  	_ =	shalt  }
0x6b: {  	_ =	shalt  }
0x6c: {  	_ =	shalt  }
0x6d: {  	_ =	shalt  }
0x6e: {  	_ =	shalt  }
0x6f: {  	_ =	shalt  }
0x70: {  	_ =	shalt  }
0x71: {  	_ =	shalt  }
0x72: {  	_ =	shalt  }
0x73: {  	_ =	shalt  }
0x74: {  	_ =	shalt  }
0x75: {  	_ =	shalt  }
0x76: {  	_ =	shalt  }
0x77: {  	_ =	shalt  }
0x78: {  	_ =	shalt  }
0x79: {  	_ =	shalt  }
0x7a: {  	_ =	shalt  }
0x7b: {  	_ =	shalt  }
0x7c: {  	_ =	shalt  }
0x7d: {  	_ =	shalt  }
0x7e: {  	_ =	shalt  }
0x7f: {  	_ =	shalt  }
0x80: {  	_ =	shalt  }
0x81: {  	_ =	shalt  }
0x82: {  	_ =	shalt  }
0x83: {  	_ =	shalt  }
0x84: {  	_ =	shalt  }
0x85: {  	_ =	shalt  }
0x86: {  	_ =	shalt  }
0x87: {  	_ =	shalt  }
.Lfunc_end0:
.L_simem_size_0:
called_computation_lowered:
.L_overlay_start_0:
0x88: {  	s2 =	sld [smem:$0x3FD9]  }
0x89: {  	s3 =	sld [smem:$0x3FFE];
	_ =	sdelay $0x1  }
0x8a: {  	s1 =	srdreg.scid  }
0x8b: {  	s0 =	sand.u32 $0x1, s1  }
0x8c: {  	s17 =	sshll.u32 s0, $0xA;
	s2 =	sadd.s32 s3, s2  }
0x8d: {  	s2 =	sadd.s32 s2, s17  }
0x8e: {  	[smem:$0x3FBF] =	sst s2  }
0x8f: {  	_ = 	snop  }
0x90: {  	s2 =	sld [smem:$0x3FD0];
	(tm) =	ssettm $0x1  }
0x91: {  	s18 =	sld [smem:$0x3FFB];
	_ =	sdelay $0x3  }
0x92: {  	_ =	strace s18  }
0x93: {  	s3 =	sld [smem:$0x3FFC];
	_ =	sdelay $0x3  }
0x94: {  	_ =	strace s3  }
0x95: {  	s3 =	sld [smem:$0x3FFD];
	_ =	sdelay $0x3  }
0x96: {  	_ =	strace s3  }
0x97: {  	_ =	strace $0x8FFFFFFF  }
0x98: {  	s19 =	sld [smem:$0x3FDB];
	_ =	sdelay $0x1  }
0x99: {  	s4 =	simm.s32 $_scs_section_size  }
0x9a: {  	s5 =	simm.s32 $_size__tile_overlayer_lowered;
	s6 =	simm.s32 $_tile_overlayer_lowered  }
0x9b: {  	s22 =	simm.s32 $0x1BFF;
	s21 =	sshll.u32 s6, $0x1;
	s3 =	sadd.s32 s4, s19  }
0x9c: {  	s7 =	simm.s32 $0x0;
	s20 =	sshll.u32 s5, $0x1;
	s5 =	sadd.s32 s21, s3  }
0x9d: {  	[timem:s7], [sflag:s22] =	dma.local [hbm:s5], s20  }
0x9e: {  	_ =	swait.ge [sflag:s22], s20  }
0x9f: {  	s4 =	ssub.s32 $0x0, s20;
	[sflag:s22] =	ssyncset.done $0x0  }
0xa0: {  	[sflag:s22] =	ssyncadd.s32 s4;
	_ =	sdelay $0x1  }
0xa1: {  	s23 =	simm.s32 $0x1B8B  }
0xa2: {  	_ =	swait.ge [sflag:s23], $0x1  }
0xa3: {  	[sflag:s23] =	ssyncset.done $0x0  }
0xa4: {  	s25 =	simm.s32 $0x1B8E;
	s24 =	sld [smem:$0x3FFE];
	[sflag:s23] =	ssyncadd.s32 $0xFFFFFFFF  }
0xa5: {  	s26 =	simm.s32 $execute0_lowered;
	[smem:$0x3FD2] =	sst s25  }
0xa6: {  	s5 =	sshll.u32 s26, $0x1;
	_ =	strace $0x80000046;
	[dreg:$0x1] =	wrdreg $0xFFFFFFFF  }
0xa7: {  	s28 =	simm.s32 $_size_execute0_lowered;
	s3 =	sadd.s32 s3, s5;
	[dreg:$0x0] =	wrdreg $0x0  }
0xa8: {  	s5 =	sshll.u32 s28, $0x1;
	[dreg:$0x2] =	wrdreg s3  }
0xa9: {  	[dreg:$0x3] =	wrdreg s5  }
0xaa: {  	[dreg:$0x4] =	wrdreg $0xC0  }
0xab: {  	_ =	task [dreg:s7], $0x5FFFF  }
0xac: {  	[dreg:$0x1] =	wrdreg $0xFFFFFFFF  }
0xad: {  	[dreg:$0x0] =	wrdreg $0x60  }
0xae: {  	[dreg:$0x2] =	wrdreg s24  }
0xaf: {  	[dreg:$0x3] =	wrdreg s2  }
0xb0: {  	[dreg:$0x4] =	wrdreg $0xC8800  }
0xb1: {  	[dreg:$0x5] =	wrdreg $0xE8800  }
0xb2: {  	[dreg:$0x6] =	wrdreg $0x9  }
0xb3: {  	_ =	task.clear_ibuf [dreg:s7], $0x7FFFF;
	_ =	strace $0x90000046  }
0xb4: {  	s29 =	simm.s32 $0x9;
	_ =	strace $0x80000048  }
0xb5: {  	_ =	swait.ge [sflag:s29], $0x1  }
0xb6: {  	[sflag:s29] =	ssyncadd.s32 $0xFFFFFFFF  }
0xb7: {  	_ =	strace $0x90000048  }
0xb8: {  	_ =	sfence  }
0xb9: {  	s30 =	sld [smem:$0x0];
	_ =	sdelay $0x2  }
0xba: {  	s31 =	sshll.u32 s1, $0xD;
	s1 =	sshrl.u32 s1, $0x2  }
0xbb: {  	s3 =	sand.u32 $0x4000, s31;
	s1 =	sadd.s32 s1, s30  }
0xbc: {  	s0 =	sor.u32 s3, s0;
	s1 =	sshll.u32 s1, $0x11  }
0xbd: {  	s0 =	sor.u32 s1, s0  }
0xbe: {  	s0 =	sadd.s32 $0x8F2B, s0  }
0xbf: {  	[sflag:s0] =	ssyncadd.remote.s32 $0x1  }
0xc0: {  	_ =	sfence.sel $0xFFFF  }
0xc1: {  	[dreg:$0x0] =	wrdreg $0xFFFFFFFF;
	(pc) =	sbr.abs _section_cstart, $3  }
0xc2: {  	[dreg:$0x1] =	wrdreg $0xFFFFFFFF  }
0xc3: {  	_ =	task.clear_ibuf [dreg:s7], $0x2FFFF;
	_ =	strace $0x9FFFFFFF  }
0xc4: {  	(tm) =	ssettm $0x7FFFFFFF  }
0xc5: {  	_ =	shalt  }
tec
execute0_lowered:
.L_overlay_start_1:
0x0: {  	(tag) =	ssettag $0x1  }
0x1: {  	s0 =	rddreg [dreg:$0x0]  }
0x2: {  	s4 =	rddreg [dreg:$0x1]  }
0x3: {  	s1 =	rddreg [dreg:$0x2]  }
0x4: {  	s2 =	rddreg [dreg:$0x3]  }
0x5: {  	s3 =	simm.s32 $0x0;
	s5 =	srdreg.scid;
	s17 =	stileid.u32  }
0x6: {  	s28 =	simm.s32 $0x9C00;
	s29 =	simm.s32 $0x10;
	s30 =	simm.s32 $0xC800  }
0x7: {  	s31 =	simm.s32 $0x0;
	[smem:$0x7FF] =	sst s3;
	s10 =	sand.u32 $0x1, s5  }
0x8: {  	s20 =	sshll.u32 s17, $0x1;
	s5 =	sadd.s32 $0x1C00, s0;
	s7 =	sshll.u32 s17, $0xA  }
0x9: {  	s14 =	sshll.u32 s17, $0xD;
	s23 =	smul.u32 $0xC8000, s17;
	p0 =	sne.s32 s17, $0x0  }
0xa: {  	s17 =	simm.s32 $0x5;
	_ =	strace $0x80000047;
	s6 =	sor.u32 s10, s20  }
0xb: {  	s11 =	sadd.s32 s7, s0;
	s21 =	sshll.u32 s10, $0x8;
	s22 =	ssub.s32 $0x2, s10  }
0xc: {  	s24 =	smul.u32 $0x64000, s10;
	s10 =	sshll.u32 s10, $0xE;
	s20 =	simm.s32 $0x4000  }
0xd: {  	s8 =	sshll.u32 s6, $0x9;
	s12 =	smul.u32 $0xC800, s6;
	s13 =	sshrl.u32 s22, $0x1  }
0xe: {  	s15 =	smul.u32 $0x64000, s6;
	s6 =	sadd.s32 s14, s1;
	s11 =	sadd.s32 s10, s11  }
0xf: {  	s9 =	sadd.s32 s8, s0;
	s0 =	sadd.s32 s21, s0;
	s13 =	ssub.s32 s22, s13  }
0x10: {  	s8 =	sadd.s32 s4, s8;
	s4 =	sadd.s32 s24, s23;
	s11 =	sadd.s32 $0x195E00, s11  }
0x11: {  	s21 =	simm.s32 $0x1;
	s22 =	simm.s32 $0x80;
	s23 =	simm.s32 $0xC000  }
.Ltmp0:
0x12: {  	s24 =	simm.s32 $0x3;
	s7 =	sadd.s32 $0x191C00, s9;
	(pc) =	sbr.rel .LBB2_1-.Ltmp0, $4  }
0x13: {  	s9 =	sadd.s32 s5, s12;
	s25 =	sshrl.u32 s15, $0x3;
	s14 =	sadd.s32 $0xC000, s4  }
0x14: {  	s13 =	smax.u32 s13, $0x1;
	s4 =	sadd.s32 $0x8000, s4;
	s12 =	sadd.s32 s5, s25  }
0x15: {  	s26 =	sshrl.u32 s14, $0x3;
	s25 =	simm.s32 $0x2;
	s10 =	sadd.s32 $0x800, s12  }
0x16: {  	v0 =	vimm.f32 $0.0e+00;
	v1 =	vlaneseq.u32;
	s12 =	sadd.s32 $0x195C00, s0;
	s16 =	sadd.s32 s26, s5;
	s26 =	simm.s32 $0x4  }
.LBB2_8:
0x17: {  	_ =	swait.ge [sflag:s21], $0x4000  }
0x18: {  	[sflag:s21] =	ssyncset.done $0x0  }
0x19: {  	[sflag:s21] =	ssyncadd.s32 $0xFFFFC000  }
0x1a: {  	[spmem:s1] =	stream.indirect.scatter.add.f32 [tilespmem:s3], [sflag:$0x3], $0x80, s28, s22, $0xb8;
	[tilespmem:$0xE900] =	vst v63  }
0x1b: {  	v2 =	vld [tilespmem:$0x9C00];
	_ =	sdelay $0x2  }
0x1c: {  	v3 =	vld [tilespmem:$0x8C00];
	_ =	sdelay $0x4  }
0x1d: {  	[tilespmem:v2+s23+$0x0] =	vst.idx.add.f32.msk $0xffff, v3  }
0x1e: {  	v2 =	vld [tilespmem:$0x9C10];
	_ =	sdelay $0x2  }
0x1f: {  	v3 =	vld [tilespmem:$0x8C10];
	_ =	sdelay $0x4  }
0x20: {  	[tilespmem:v2+s23+$0x0] =	vst.idx.add.f32.msk $0xffff, v3  }
0x21: {  	v2 =	vld [tilespmem:$0x9C20];
	_ =	sdelay $0x2  }
0x22: {  	v3 =	vld [tilespmem:$0x8C20];
	_ =	sdelay $0x4  }
0x23: {  	[tilespmem:v2+s23+$0x0] =	vst.idx.add.f32.msk $0xffff, v3  }
0x24: {  	v2 =	vld [tilespmem:$0x9C30];
	_ =	sdelay $0x2  }
0x25: {  	v3 =	vld [tilespmem:$0x8C30];
	_ =	sdelay $0x4  }
0x26: {  	[tilespmem:v2+s23+$0x0] =	vst.idx.add.f32.msk $0xffff, v3  }
0x27: {  	v2 =	vld [tilespmem:$0x9C40];
	_ =	sdelay $0x2  }
0x28: {  	v3 =	vld [tilespmem:$0x8C40];
	_ =	sdelay $0x4  }
0x29: {  	[tilespmem:v2+s23+$0x0] =	vst.idx.add.f32.msk $0xffff, v3  }
0x2a: {  	v2 =	vld [tilespmem:$0x9C50];
	_ =	sdelay $0x2  }
0x2b: {  	v3 =	vld [tilespmem:$0x8C50];
	_ =	sdelay $0x4  }
0x2c: {  	[tilespmem:v2+s23+$0x0] =	vst.idx.add.f32.msk $0xffff, v3  }
0x2d: {  	v2 =	vld [tilespmem:$0x9C60];
	_ =	sdelay $0x2  }
0x2e: {  	v3 =	vld [tilespmem:$0x8C60];
	_ =	sdelay $0x4  }
0x2f: {  	[tilespmem:v2+s23+$0x0] =	vst.idx.add.f32.msk $0xffff, v3  }
0x30: {  	v2 =	vld [tilespmem:$0x9C70];
	_ =	sdelay $0x2  }
0x31: {  	v3 =	vld [tilespmem:$0x8C70];
	_ =	sdelay $0x4  }
0x32: {  	[tilespmem:v2+s23+$0x0] =	vst.idx.add.f32.msk $0xffff, v3  }
0x33: {  	_ =	swait.ge [sflag:s24], $0x4000  }
0x34: {  	[sflag:s24] =	ssyncset.done $0x0  }
0x35: {  	[sflag:s24] =	ssyncadd.s32 $0xFFFFC000  }
0x36: {  	[spmem:s2] =	stream.indirect.scatter.add.f32 [tilespmem:s23], [sflag:$0x5], $0x80, s30, s29, $0xb8;
	[tilespmem:$0xE900] =	vst v63  }
0x37: {  	_ =	swait.ge [sflag:s17], $0x800  }
0x38: {  	s0 =	stileid.u32;
	[sflag:s17] =	ssyncset.done $0x0  }
0x39: {  	s0 =	sshll.u32 s0, $0x6;
	[sflag:s17] =	ssyncadd.s32 $0xFFFFF800  }
0x3a: {  	s14 =	sshrl.u32 s6, $0x3;
	s0 =	sor.u32 $0x1C05, s0;
	[bflag:$0x0] =	sbarrier.arrive $0xFFFF  }
0x3b: {  	[hbm:s11], [sflag:s0] =	dma.local [spmem:s14], $0x400  }
0x3c: {  	_ =	swait.ge [sflag:s17], $0x400  }
0x3d: {  	s31 =	sadd.s32 $0x1, s31;
	[sflag:s17] =	ssyncset.done $0x0  }
0x3e: {  	p1 =	sne.s32 s31, s13;
	s14 =	sshrl.u32 @!p0 s2, $0x3;
	[sflag:s17] =	ssyncadd.s32 $0xFFFFFC00  }
0x3f: {  	[hbm:s12], [sflag:s0] =	dma.local @!p0 [spmem:s14], $0x100  }
.Ltmp1:
0x40: {  	_ = 	snop;
	(pc) =	sbr.rel @!p1 .LBB2_9-.Ltmp1, $4  }
0x41: {  	s0 =	simm.s32 @!p0 $0x5  }
0x42: {  	_ =	swait.ge @!p0 [sflag:s0], $0x100  }
0x43: {  	[sflag:s0] =	ssyncset.done @!p0 $0x0  }
0x44: {  	[sflag:s0] =	ssyncadd.s32 @!p0 $0xFFFFFF00  }
.LBB2_1:
0x45: {  	s0 =	simm.s32 $0x0;
	s14 =	simm.s32 $0x200  }
.LBB2_2:
0x46: {  	p1 =	sne.s32 s14, $0x7E00;
	[tilespmem:s0+$0xA070] =	vst v0  }
0x47: {  	[tilespmem:s0+$0xA000] =	vst v0  }
0x48: {  	[tilespmem:s0+$0xA010] =	vst v0  }
.Ltmp2:
0x49: {  	[tilespmem:s0+$0xA020] =	vst v0;
	(pc) =	sbr.rel @p1 .LBB2_2-.Ltmp2, $4  }
0x4a: {  	[tilespmem:s0+$0xA030] =	vst v0  }
0x4b: {  	[tilespmem:s0+$0xA040] =	vst v0  }
0x4c: {  	[tilespmem:s0+$0xA050] =	vst v0  }
0x4d: {  	[tilespmem:s0+$0xA060] =	vst v0;
	s0 =	sshra.s32 s14, $0x2;
	s14 =	sadd.s32 $0x200, s14  }
0x4e: {  	[tilespmem:s0+$0xA070] =	vst v0  }
0x4f: {  	[tilespmem:s0+$0xA000] =	vst v0  }
0x50: {  	[tilespmem:s0+$0xA010] =	vst v0  }
0x51: {  	[tilespmem:s0+$0xA020] =	vst v0  }
0x52: {  	[tilespmem:s0+$0xA030] =	vst v0  }
0x53: {  	[tilespmem:s0+$0xA040] =	vst v0  }
0x54: {  	[tilespmem:s0+$0xA050] =	vst v0  }
0x55: {  	[tilespmem:s0+$0xA060] =	vst v0;
	s0 =	simm.s32 $0x0;
	s14 =	simm.s32 $0x200  }
.LBB2_4:
0x56: {  	p1 =	sne.s32 s14, $0x1E00;
	[tilespmem:s0+$0xC070] =	vst v0  }
0x57: {  	[tilespmem:s0+$0xC000] =	vst v0  }
0x58: {  	[tilespmem:s0+$0xC010] =	vst v0  }
.Ltmp3:
0x59: {  	[tilespmem:s0+$0xC020] =	vst v0;
	(pc) =	sbr.rel @p1 .LBB2_4-.Ltmp3, $4  }
0x5a: {  	[tilespmem:s0+$0xC030] =	vst v0  }
0x5b: {  	[tilespmem:s0+$0xC040] =	vst v0  }
0x5c: {  	[tilespmem:s0+$0xC050] =	vst v0  }
0x5d: {  	[tilespmem:s0+$0xC060] =	vst v0;
	s0 =	sshra.s32 s14, $0x2;
	s14 =	sadd.s32 $0x200, s14  }
0x5e: {  	[tilespmem:s0+$0xC070] =	vst v0  }
0x5f: {  	[tilespmem:s0+$0xC000] =	vst v0  }
0x60: {  	[tilespmem:s0+$0xC010] =	vst v0  }
0x61: {  	[tilespmem:s0+$0xC020] =	vst v0  }
0x62: {  	[tilespmem:s0+$0xC030] =	vst v0  }
0x63: {  	[tilespmem:s0+$0xC040] =	vst v0  }
0x64: {  	[tilespmem:s0+$0xC050] =	vst v0  }
0x65: {  	[tilespmem:s0+$0xC060] =	vst v0  }
0x66: {  	s18 =	simm.s32 $0xA000;
	[tilespmem:$0xC800] =	vst v1  }
0x67: {  	[spmem:s6] =	stream.linear.scatter [tilespmem:s18], [sflag:$0x5], $0x2000, $0x38;
	[tilespmem:$0xE900] =	vst v63  }
0x68: {  	_ =	swait.ge [sflag:s17], $0x2000  }
0x69: {  	[sflag:s17] =	ssyncset.done $0x0  }
0x6a: {  	s0 =	simm.s32 @!p0 $0xC000;
	[sflag:s17] =	ssyncadd.s32 $0xFFFFE000  }
0x6b: {  	[spmem:s2] =	stream.linear.scatter @!p0 [tilespmem:s0], [sflag:$0x5], $0x800, $0x38;
	[tilespmem:$0xE900] =	vst v63  }
0x6c: {  	s0 =	simm.s32 @!p0 $0x5  }
0x6d: {  	_ =	swait.ge @!p0 [sflag:s0], $0x800  }
0x6e: {  	[sflag:s0] =	ssyncset.done @!p0 $0x0  }
0x6f: {  	s14 =	simm.s32 $0x9000;
	[sflag:s0] =	ssyncadd.s32 @!p0 $0xFFFFF800;
	s0 =	simm.s32 $0x0  }
0x70: {  	[tilespmem:s14], [sflag:$0x5] =	stream.linear.gather [hbm4b:s7+s0], $0xC80, $0x38;
	[tilespmem:$0xE900] =	vst v63  }
0x71: {  	_ =	swait.ge [sflag:s17], $0xC80  }
0x72: {  	[sflag:s17] =	ssyncset.done $0x0  }
0x73: {  	s19 =	simm.s32 $0x8000;
	[sflag:s17] =	ssyncadd.s32 $0xFFFFF380  }
0x74: {  	[tilespmem:s19], [sflag:$0x5] =	stream.linear.gather [hbm4b:s8+s0], $0xC80, $0x38;
	[tilespmem:$0xE900] =	vst v63  }
0x75: {  	_ =	swait.ge [sflag:s17], $0xC80  }
0x76: {  	[sflag:s17] =	ssyncset.done $0x0  }
0x77: {  	[sflag:s17] =	ssyncadd.s32 $0xFFFFF380  }
0x78: {  	[bflag:$0x0] =	sbarrier.arrive $0xFFFF  }
0x79: {  	[tilespmem:s0], [sflag:$0x1] =	stream.linear.gather [hbm4b:s9+s0], $0x4000, $0x38;
	[tilespmem:$0xE900] =	vst v63  }
0x7a: {  	s15 =	smov.u32 s16;
	s14 =	smov.u32 s4  }
0x7b: {  	[tilespmem:s20], [sflag:$0x2] =	stream.linear.gather [hbm4b:s10+s0], $0x4000, $0x38;
	[tilespmem:$0xE900] =	vst v63  }
.LBB2_6:
0x7c: {  	_ =	swait.ge [sflag:s21], $0x4000  }
0x7d: {  	s18 =	sshra.s32 s0, $0x2;
	[sflag:s21] =	ssyncset.done $0x0  }
0x7e: {  	s19 =	sadd.s32 $0x9000, s18;
	[sflag:s21] =	ssyncadd.s32 $0xFFFFC000  }
0x7f: {  	[spmem:s1] =	stream.indirect.scatter.add.f32 [tilespmem:s3], [sflag:$0x3], $0x80, s19, s22, $0xb8;
	[tilespmem:$0xE900] =	vst v63  }
0x80: {  	v2 =	vld [tilespmem:s18+$0x9000];
	_ =	sdelay $0x2  }
0x81: {  	v3 =	vld [tilespmem:s18+$0x8000];
	_ =	sdelay $0x4  }
0x82: {  	[tilespmem:v2+s23+$0x0] =	vst.idx.add.f32.msk $0xffff, v3  }
0x83: {  	v2 =	vld [tilespmem:s18+$0x9010];
	_ =	sdelay $0x2  }
0x84: {  	v3 =	vld [tilespmem:s18+$0x8010];
	_ =	sdelay $0x4  }
0x85: {  	[tilespmem:v2+s23+$0x0] =	vst.idx.add.f32.msk $0xffff, v3  }
0x86: {  	v2 =	vld [tilespmem:s18+$0x9020];
	_ =	sdelay $0x2  }
0x87: {  	v3 =	vld [tilespmem:s18+$0x8020];
	_ =	sdelay $0x4  }
0x88: {  	[tilespmem:v2+s23+$0x0] =	vst.idx.add.f32.msk $0xffff, v3  }
0x89: {  	v2 =	vld [tilespmem:s18+$0x9030];
	_ =	sdelay $0x2  }
0x8a: {  	v3 =	vld [tilespmem:s18+$0x8030];
	_ =	sdelay $0x4  }
0x8b: {  	[tilespmem:v2+s23+$0x0] =	vst.idx.add.f32.msk $0xffff, v3  }
0x8c: {  	v2 =	vld [tilespmem:s18+$0x9040];
	_ =	sdelay $0x2  }
0x8d: {  	v3 =	vld [tilespmem:s18+$0x8040];
	_ =	sdelay $0x4  }
0x8e: {  	[tilespmem:v2+s23+$0x0] =	vst.idx.add.f32.msk $0xffff, v3  }
0x8f: {  	v2 =	vld [tilespmem:s18+$0x9050];
	_ =	sdelay $0x2  }
0x90: {  	v3 =	vld [tilespmem:s18+$0x8050];
	_ =	sdelay $0x4  }
0x91: {  	[tilespmem:v2+s23+$0x0] =	vst.idx.add.f32.msk $0xffff, v3  }
0x92: {  	v2 =	vld [tilespmem:s18+$0x9060];
	_ =	sdelay $0x2  }
0x93: {  	v3 =	vld [tilespmem:s18+$0x8060];
	_ =	sdelay $0x4  }
0x94: {  	[tilespmem:v2+s23+$0x0] =	vst.idx.add.f32.msk $0xffff, v3  }
0x95: {  	v2 =	vld [tilespmem:s18+$0x9070];
	_ =	sdelay $0x2  }
0x96: {  	v3 =	vld [tilespmem:s18+$0x8070];
	_ =	sdelay $0x4  }
0x97: {  	[tilespmem:v2+s23+$0x0] =	vst.idx.add.f32.msk $0xffff, v3  }
0x98: {  	_ =	swait.ge [sflag:s24], $0x4000  }
0x99: {  	s19 =	sshrl.u32 s14, $0x3;
	[sflag:s24] =	ssyncset.done $0x0  }
0x9a: {  	s19 =	sadd.s32 s5, s19;
	[sflag:s24] =	ssyncadd.s32 $0xFFFFC000  }
0x9b: {  	[tilespmem:s3], [sflag:$0x1] =	stream.linear.gather [hbm4b:s19+s3], $0x4000, $0x38;
	[tilespmem:$0xE900] =	vst v63  }
0x9c: {  	_ =	swait.ge [sflag:s25], $0x4000  }
0x9d: {  	[sflag:s25] =	ssyncset.done $0x0  }
0x9e: {  	s19 =	sadd.s32 $0x9080, s18;
	[sflag:s25] =	ssyncadd.s32 $0xFFFFC000  }
0x9f: {  	[spmem:s1] =	stream.indirect.scatter.add.f32 [tilespmem:s20], [sflag:$0x4], $0x80, s19, s22, $0xb8;
	[tilespmem:$0xE900] =	vst v63  }
0xa0: {  	v2 =	vld [tilespmem:s18+$0x9080];
	_ =	sdelay $0x2  }
0xa1: {  	v3 =	vld [tilespmem:s18+$0x8080];
	_ =	sdelay $0x4  }
0xa2: {  	[tilespmem:v2+s23+$0x0] =	vst.idx.add.f32.msk $0xffff, v3  }
0xa3: {  	v2 =	vld [tilespmem:s18+$0x9090];
	_ =	sdelay $0x2  }
0xa4: {  	v3 =	vld [tilespmem:s18+$0x8090];
	_ =	sdelay $0x4  }
0xa5: {  	[tilespmem:v2+s23+$0x0] =	vst.idx.add.f32.msk $0xffff, v3  }
0xa6: {  	v2 =	vld [tilespmem:s18+$0x90A0];
	_ =	sdelay $0x2  }
0xa7: {  	v3 =	vld [tilespmem:s18+$0x80A0];
	_ =	sdelay $0x4  }
0xa8: {  	[tilespmem:v2+s23+$0x0] =	vst.idx.add.f32.msk $0xffff, v3  }
0xa9: {  	v2 =	vld [tilespmem:s18+$0x90B0];
	_ =	sdelay $0x2  }
0xaa: {  	v3 =	vld [tilespmem:s18+$0x80B0];
	_ =	sdelay $0x4  }
0xab: {  	[tilespmem:v2+s23+$0x0] =	vst.idx.add.f32.msk $0xffff, v3  }
0xac: {  	v2 =	vld [tilespmem:s18+$0x90C0];
	_ =	sdelay $0x2  }
0xad: {  	v3 =	vld [tilespmem:s18+$0x80C0];
	_ =	sdelay $0x4  }
0xae: {  	[tilespmem:v2+s23+$0x0] =	vst.idx.add.f32.msk $0xffff, v3  }
0xaf: {  	v2 =	vld [tilespmem:s18+$0x90D0];
	_ =	sdelay $0x2  }
0xb0: {  	v3 =	vld [tilespmem:s18+$0x80D0];
	_ =	sdelay $0x4  }
0xb1: {  	[tilespmem:v2+s23+$0x0] =	vst.idx.add.f32.msk $0xffff, v3  }
0xb2: {  	v2 =	vld [tilespmem:s18+$0x90E0];
	_ =	sdelay $0x2  }
0xb3: {  	v3 =	vld [tilespmem:s18+$0x80E0];
	_ =	sdelay $0x4  }
0xb4: {  	[tilespmem:v2+s23+$0x0] =	vst.idx.add.f32.msk $0xffff, v3  }
0xb5: {  	v2 =	vld [tilespmem:s18+$0x90F0];
	_ =	sdelay $0x2  }
0xb6: {  	v3 =	vld [tilespmem:s18+$0x80F0];
	_ =	sdelay $0x2  }
0xb7: {  	p1 =	seq.s32 s0, $0x2C00  }
.Ltmp4:
0xb8: {  	_ = 	snop;
	(pc) =	sbr.rel @p1 .LBB2_8-.Ltmp4, $4  }
0xb9: {  	[tilespmem:v2+s23+$0x0] =	vst.idx.add.f32.msk $0xffff, v3  }
0xba: {  	_ =	swait.ge [sflag:s26], $0x4000  }
0xbb: {  	[sflag:s26] =	ssyncset.done $0x0  }
0xbc: {  	[sflag:s26] =	ssyncadd.s32 $0xFFFFC000  }
.Ltmp5:
0xbd: {  	(pc) =	sbr.rel .LBB2_6-.Ltmp5, $3  }
0xbe: {  	_ =	sdelay $0x1  }
0xbf: {  	[tilespmem:s20], [sflag:$0x2] =	stream.linear.gather [hbm4b:s15+s3], $0x4000, $0x38;
	[tilespmem:$0xE900] =	vst v63  }
0xc0: {  	s0 =	sadd.s32 $0x400, s0;
	s14 =	sadd.s32 $0x8000, s14;
	s15 =	sadd.s32 $0x1000, s15  }
.LBB2_9:
0xc1: {  	_ =	sfence.sel $0x180000  }
0xc2: {  	[bflag:$0x0] =	sbarrier.arrive $0xFFFF  }
0xc3: {  	_ =	strace $0x90000047  }
0xc4: {  	[bflag:$0x2] =	sbarrier.arrive $0xFFFF  }
0xc5: {  	s0 =	rddreg [dreg:$0x4]  }
0xc6: {  	s0 =	sadd.s32 @!p0 $0x100000, s0  }
0xc7: {  	[sflag:s0] =	ssyncadd.tile.s32 @!p0 $0x1;
	_ =	shalt  }
.Lfunc_end2:
_tile_overlayer_lowered:
.L_overlay_start_2:
0xc8: {  	(tag) =	ssettag $0x2  }
0xc9: {  	s0 =	rddreg [dreg:$0x0];
	s2 =	stileid.u32  }
0xca: {  	s1 =	rddreg [dreg:$0x1];
	p0 =	sne.s32 s2, $0x0  }
0xcb: {  	s3 =	rddreg [dreg:$0x2];
	[bflag:$0x3] =	sbarrier.arrive $0xFFFF;
	s2 =	simm.s32 @!p0 $0x1C05  }
0xcc: {  	[timem:s3], [sflag:s2] =	dma.local @!p0 [hbm:s0], s1  }
0xcd: {  	s0 =	simm.s32 @!p0 $0x5  }
0xce: {  	_ =	swait.ge @!p0 [sflag:s0], s1  }
0xcf: {  	s1 =	ssub.s32 @!p0 $0x0, s1;
	[sflag:s0] =	ssyncset.done @!p0 $0x0  }
0xd0: {  	[sflag:s0] =	ssyncadd.s32 @!p0 s1  }
0xd1: {  	[bflag:$0x3] =	sbarrier.arrive $0xFFFF  }
0xd2: {  	_ =	shalt  }

</sc_bundles>
